<compile_context>
chip_gen: v7x
topology: tpu7x:2x2x1
jax: 0.10.2.dev20260603
libtpu: 0.0.44.dev20260713+nightly
codegen_flags: <defaults>
</compile_context>

<pallas_src>
import functools

import jax
import jax.numpy as jnp
from jax import lax
from jax.experimental import pallas as pl
from jax.experimental.pallas import tpu as pltpu
from jax.experimental.pallas import tpu_sc as plsc

N, E, D, H, O = 10000, 320000, 128, 128, 128

NC, NS = 2, 16
NW = NC * NS
EPW = E // NW
C = 80
NCH = EPW // C
RPS = 1000
NWB = N // RPS

BLK_N = 2000
BLK_E = 2000



def _lin1_body(x_ref, wl_ref, bl_ref, wr_ref, br_ref, wsk_ref, bsk_ref,
               xl_ref, xr_ref, xsk_ref):
    x = x_ref[...]
    xl_ref[...] = jnp.dot(x, wl_ref[...], preferred_element_type=jnp.float32) + bl_ref[...]
    xr_ref[...] = jnp.dot(x, wr_ref[...], preferred_element_type=jnp.float32) + br_ref[...]
    xsk_ref[...] = jnp.dot(x, wsk_ref[...], preferred_element_type=jnp.float32) + bsk_ref[...]


def _lin2_body(x_ref, wl_ref, bl_ref, wr_ref, br_ref, xl_ref, xr_ref):
    x = x_ref[...]
    xl_ref[...] = jnp.dot(x, wl_ref[...], preferred_element_type=jnp.float32) + bl_ref[...]
    xr_ref[...] = jnp.dot(x, wr_ref[...], preferred_element_type=jnp.float32) + br_ref[...]


def _edge_body(gxl_ref, gxr_ref, ea_ref, we_ref, att_ref, contrib_ref, a128_ref):
    gxl = gxl_ref[...]
    z = gxl + gxr_ref[...] + jnp.dot(ea_ref[...], we_ref[...],
                                     preferred_element_type=jnp.float32)
    v = jnp.where(z >= 0, z, 0.2 * z)
    logit = jnp.sum(v * att_ref[...], axis=1)
    a = jnp.exp(logit)
    contrib_ref[...] = a[:, None] * gxl
    col = lax.broadcasted_iota(jnp.int32, (a.shape[0], H), 1)
    a128_ref[...] = jnp.where(col == 0, a[:, None], 0.0)


def _inorm(z):
    mu = jnp.mean(z, axis=1, keepdims=True)
    var = jnp.mean((z - mu) ** 2, axis=1, keepdims=True)
    return (z - mu) * lax.rsqrt(var + 1e-5)


def _epi1_body(num_ref, s_ref, bias_ref, out_ref):
    s = jnp.sum(s_ref[...], axis=1)
    h = num_ref[...] / (s[:, None] + 1e-16) + bias_ref[...]
    h = jnp.maximum(h, 0.0)
    out_ref[...] = _inorm(h)


def _epi2_body(num_ref, s_ref, xsk_ref, bias_ref, out_ref):
    s = jnp.sum(s_ref[...], axis=1)
    h = num_ref[...] / (s[:, None] + 1e-16) + bias_ref[...] + xsk_ref[...]
    h = jnp.maximum(h, 0.0)
    out_ref[...] = _inorm(h)


def _full(shape):
    return pl.BlockSpec(shape, lambda i: (0,) * len(shape))


def _rows(blk, w):
    return pl.BlockSpec((blk, w), lambda i: (i, 0))


_f32 = jnp.float32


def _lin1(x, wl, bl, wr, br, wsk, bsk):
    return pl.pallas_call(
        _lin1_body,
        grid=(N // BLK_N,),
        in_specs=[_rows(BLK_N, D), _full((D, H)), _full((1, H)), _full((D, H)),
                  _full((1, H)), _full((D, O)), _full((1, O))],
        out_specs=[_rows(BLK_N, H), _rows(BLK_N, H), _rows(BLK_N, O)],
        out_shape=[jax.ShapeDtypeStruct((N, H), _f32)] * 3,
    )(x, wl, bl, wr, br, wsk, bsk)


def _lin2(h, wl, bl, wr, br):
    return pl.pallas_call(
        _lin2_body,
        grid=(N // BLK_N,),
        in_specs=[_rows(BLK_N, H), _full((H, H)), _full((1, H)), _full((H, H)),
                  _full((1, H))],
        out_specs=[_rows(BLK_N, H), _rows(BLK_N, H)],
        out_shape=[jax.ShapeDtypeStruct((N, H), _f32)] * 2,
    )(h, wl, bl, wr, br)


def _edge(gxl, gxr, edge_attr, we, att):
    return pl.pallas_call(
        _edge_body,
        grid=(E // BLK_E,),
        in_specs=[_rows(BLK_E, H), _rows(BLK_E, H), _rows(BLK_E, H),
                  _full((H, H)), _full((1, H))],
        out_specs=[_rows(BLK_E, H), _rows(BLK_E, H)],
        out_shape=[jax.ShapeDtypeStruct((E, H), _f32),
                   jax.ShapeDtypeStruct((E, H), _f32)],
    )(gxl, gxr, edge_attr, we, att)


def _epi1(num, s128, bias):
    return pl.pallas_call(
        _epi1_body,
        grid=(N // BLK_N,),
        in_specs=[_rows(BLK_N, H), _rows(BLK_N, H), _full((1, H))],
        out_specs=_rows(BLK_N, H),
        out_shape=jax.ShapeDtypeStruct((N, H), _f32),
    )(num, s128, bias)


def _epi2(num, s128, xsk, bias):
    return pl.pallas_call(
        _epi2_body,
        grid=(N // BLK_N,),
        in_specs=[_rows(BLK_N, O), _rows(BLK_N, O), _rows(BLK_N, O),
                  _full((1, O))],
        out_specs=_rows(BLK_N, O),
        out_shape=jax.ShapeDtypeStruct((N, O), _f32),
    )(num, s128, xsk, bias)



@functools.cache
def _mesh():
    return plsc.VectorSubcoreMesh(core_axis_name="c", subcore_axis_name="s")


def _sc_gather(xl, xr, src, dst):

    @functools.partial(
        pl.kernel,
        mesh=_mesh(),
        out_type=[jax.ShapeDtypeStruct((E, H), _f32)] * 2,
        scratch_types=[
            pltpu.VMEM((C,), jnp.int32),
            pltpu.VMEM((C,), jnp.int32),
            pltpu.VMEM((C, H), _f32),
            pltpu.VMEM((C, H), _f32),
            pltpu.SemaphoreType.DMA,
            pltpu.SemaphoreType.DMA,
            pltpu.SemaphoreType.DMA,
            pltpu.SemaphoreType.DMA,
        ],
    )
    def k(xl_hbm, xr_hbm, src_hbm, dst_hbm, gxl_hbm, gxr_hbm,
          idx_s, idx_d, rows_l, rows_r, sem1, sem2, sem3, sem4):
        wid = lax.axis_index("c") * NS + lax.axis_index("s")
        base = wid * EPW

        @pl.loop(0, NCH)
        def _(j):
            off = pl.multiple_of(base + j * C, 8)
            ci = pltpu.async_copy(src_hbm.at[pl.ds(off, C)], idx_s, sem1)
            cj = pltpu.async_copy(dst_hbm.at[pl.ds(off, C)], idx_d, sem2)
            ci.wait()
            cj.wait()
            ca = pltpu.async_copy(xl_hbm.at[idx_s], rows_l, sem1)
            cb = pltpu.async_copy(xr_hbm.at[idx_d], rows_r, sem2)
            ca.wait()
            cb.wait()
            co = pltpu.async_copy(rows_l, gxl_hbm.at[pl.ds(off, C)], sem3)
            cp = pltpu.async_copy(rows_r, gxr_hbm.at[pl.ds(off, C)], sem4)
            co.wait()
            cp.wait()

    return k(xl, xr, src, dst)


def _sc_scatter(contrib, a128, dst, zrows):

    EPS = E // NS
    NCS = EPS // C

    @functools.partial(
        pl.kernel,
        mesh=_mesh(),
        out_type=[jax.ShapeDtypeStruct((N, H), _f32)] * 2,
        scratch_types=[
            pltpu.VMEM_SHARED((N, H), _f32),
            pltpu.VMEM((C,), jnp.int32),
            pltpu.VMEM((C, H), _f32),
            pltpu.SemaphoreType.DMA,
            pltpu.SemaphoreType.DMA,
        ],
    )
    def k(contrib_hbm, a_hbm, dst_hbm, z_hbm, num_hbm, s_hbm,
          acc_sh, idx_v, rows_v, sem1, sem2):
        cid = lax.axis_index("c")
        sid = lax.axis_index("s")
        base = sid * EPS

        @pl.when(sid < NWB)
        def _():
            zoff = pl.multiple_of(sid * RPS, 8)
            pltpu.async_copy(z_hbm, acc_sh.at[pl.ds(zoff, RPS)], sem1).wait()

        plsc.subcore_barrier()

        def scatter_from(data_hbm):
            @pl.loop(0, NCS)
            def _(j):
                off = pl.multiple_of(base + j * C, 8)
                c0 = pltpu.async_copy(dst_hbm.at[pl.ds(off, C)], idx_v, sem1)
                c1 = pltpu.async_copy(data_hbm.at[pl.ds(off, C)], rows_v, sem2)
                c0.wait()
                c1.wait()
                pltpu.sync_copy(rows_v, acc_sh.at[idx_v], add=True)

        @pl.when(cid == 0)
        def _():
            scatter_from(contrib_hbm)

        @pl.when(cid == 1)
        def _():
            scatter_from(a_hbm)

        plsc.subcore_barrier()

        @pl.when(sid < NWB)
        def _():
            zoff = pl.multiple_of(sid * RPS, 8)
            src_slice = acc_sh.at[pl.ds(zoff, RPS)]

            @pl.when(cid == 0)
            def _():
                pltpu.async_copy(src_slice, num_hbm.at[pl.ds(zoff, RPS)],
                                 sem1).wait()

            @pl.when(cid == 1)
            def _():
                pltpu.async_copy(src_slice, s_hbm.at[pl.ds(zoff, RPS)],
                                 sem1).wait()

    return k(contrib, a128, dst, zrows)



def kernel(x, edge_index, edge_attr, W1l, b1l, W1r, b1r, W1e, att1, bias1,
           W2l, b2l, W2r, b2r, W2e, att2, bias2, Wskip, bskip):
    src = edge_index[0]
    dst = edge_index[1]
    r = lambda b: b.reshape(1, -1)
    zrows = jnp.zeros((RPS, H), _f32)

    xl1, xr1, xsk = _lin1(x, W1l, r(b1l), W1r, r(b1r), Wskip, r(bskip))
    gxl1, gxr1 = _sc_gather(xl1, xr1, src, dst)
    contrib1, a16_1 = _edge(gxl1, gxr1, edge_attr, W1e, r(att1))
    nums1, ss1 = _sc_scatter(contrib1, a16_1, dst, zrows)
    h = _epi1(nums1, ss1, r(bias1))

    xl2, xr2 = _lin2(h, W2l, r(b2l), W2r, r(b2r))
    gxl2, gxr2 = _sc_gather(xl2, xr2, src, dst)
    contrib2, a16_2 = _edge(gxl2, gxr2, edge_attr, W2e, r(att2))
    nums2, ss2 = _sc_scatter(contrib2, a16_2, dst, zrows)
    return _epi2(nums2, ss2, xsk, r(bias2))

# --- scband reference (transcript-rebuilt; emitter-appended) ---
"""Pipeline reference for scband-node-update-attn-64750926954665 (READ-ONLY COPY).

The authoritative reference and input builder live on the scoring server;
editing this copy changes nothing except your own understanding.
"""

import jax, jax.numpy as jnp
import numpy as np

N, E, D, H, O = 10000, 320000, 128, 128, 128


def setup_inputs(seed: int = 0):
    key = jax.random.key(seed)
    ks = jax.random.split(key, 24)
    inp = {}
    inp['x'] = jax.random.normal(ks[0], (N, D), dtype=jnp.float32)
    inp['edge_index'] = jax.random.randint(ks[1], (2, E), 0, N, dtype=jnp.int32)
    inp['edge_attr'] = jax.random.normal(ks[2], (E, H), dtype=jnp.float32)
    shapes = {'W1l': (D, H), 'b1l': (H,), 'W1r': (D, H), 'b1r': (H,), 'W1e': (H, H), 'att1': (H,), 'bias1': (H,),
              'W2l': (H, H), 'b2l': (H,), 'W2r': (H, H), 'b2r': (H,), 'W2e': (H, H), 'att2': (H,), 'bias2': (O,),
              'Wskip': (D, O), 'bskip': (O,)}
    for i, (name, shp) in enumerate(shapes.items()):
        inp[name] = jax.random.normal(ks[3 + i], shp, dtype=jnp.float32) * 0.1
    return inp


def _gatv2(x_src, x_dst, edge_index, edge_attr, Wl, bl, Wr, br, We, att, bias):
    src = edge_index[0]
    dst = edge_index[1]
    n = x_dst.shape[0]
    xl = x_src @ Wl + bl
    xr = x_dst @ Wr + br
    e = xl[src] + xr[dst] + edge_attr @ We
    e = jax.nn.leaky_relu(e, 0.2)
    logits = jnp.sum(e * att, axis=-1)
    m = jax.ops.segment_max(jax.lax.stop_gradient(logits), dst, num_segments=n)
    m = jnp.where(jnp.isfinite(m), m, 0.0)
    a = jnp.exp(logits - m[dst])
    s = jax.ops.segment_sum(a, dst, num_segments=n)
    alpha = a / (s[dst] + 1e-16)
    out = jax.ops.segment_sum(alpha[:, None] * xl[src], dst, num_segments=n)
    return out + bias


def _inorm(z):
    mu = jnp.mean(z, axis=1, keepdims=True)
    var = jnp.var(z, axis=1, keepdims=True)
    return (z - mu) / jnp.sqrt(var + 1e-5)


def reference(x, edge_index, edge_attr, W1l, b1l, W1r, b1r, W1e, att1, bias1,
              W2l, b2l, W2r, b2r, W2e, att2, bias2, Wskip, bskip):
    h = jax.nn.relu(_gatv2(x, x, edge_index, edge_attr, W1l, b1l, W1r, b1r, W1e, att1, bias1))
    h = _inorm(h)
    h2 = _gatv2(h, h, edge_index, edge_attr, W2l, b2l, W2r, b2r, W2e, att2, bias2) + x @ Wskip + bskip
    h_out = jax.nn.relu(h2)
    h_out = _inorm(h_out)
    return h_out

if __name__ == "__main__":
    import jax
    _d = setup_inputs()
    print(jax.jit(kernel)(*tuple(_d.values())))

</pallas_src>

<mosaic_0001>
#map = affine_map<(d0, d1) -> (0, 0)>
#map1 = affine_map<(d0, d1) -> (0)>
module attributes {stable_mosaic.version = 14 : i64} {
  func.func @k(%arg0: i32, %arg1: i32, %arg2: memref<10000x128xf32, #tpu.memory_space<hbm>>, %arg3: memref<10000x128xf32, #tpu.memory_space<hbm>>, %arg4: memref<320000xi32, #tpu.memory_space<hbm>>, %arg5: memref<320000xi32, #tpu.memory_space<hbm>>, %arg6: memref<320000x128xf32, #tpu.memory_space<hbm>>, %arg7: memref<320000x128xf32, #tpu.memory_space<hbm>>, %arg8: memref<80xi32, #tpu.memory_space<vmem>>, %arg9: memref<80xi32, #tpu.memory_space<vmem>>, %arg10: memref<80x128xf32, #tpu.memory_space<vmem>>, %arg11: memref<80x128xf32, #tpu.memory_space<vmem>>, %arg12: memref<!tpu.dma_semaphore, #tpu.memory_space<semaphore_mem>>, %arg13: memref<!tpu.dma_semaphore, #tpu.memory_space<semaphore_mem>>, %arg14: memref<!tpu.dma_semaphore, #tpu.memory_space<semaphore_mem>>, %arg15: memref<!tpu.dma_semaphore, #tpu.memory_space<semaphore_mem>>) attributes {dimension_semantics = [#tpu.dimension_semantics<core_parallel>, #tpu.dimension_semantics<subcore_parallel>], iteration_bounds = array<i64: 2, 16>, scalar_prefetch = 0 : i64, scratch_operands = 8 : i64, tpu.core_type = #tpu.core_type<sc_vector_subcore>, window_params = [{transform_indices = #map}, {transform_indices = #map}, {transform_indices = #map1}, {transform_indices = #map1}, {transform_indices = #map}, {transform_indices = #map}]} {
    %mul3A = arith.constant 16 : i32
    %mul3A_0 = arith.muli %arg0, %mul3A : i32
    %add3A = arith.addi %mul3A_0, %arg1 : i32
    %mul3A_1 = arith.constant 10000 : i32
    %mul3A_2 = arith.muli %add3A, %mul3A_1 : i32
    %scan3A = arith.constant 0 : i32
    %scan3A_3 = arith.constant 125 : i32
    %scan3A_4 = arith.addi %scan3A, %scan3A_3 : i32
    %scan3A_5 = arith.constant 1 : i32
    scf.for %scan3A_7 = %scan3A to %scan3A_4 step %scan3A_5  : i32 {
      %mul3A_8 = arith.constant 1 : i32
      %mul3A_9 = arith.muli %scan3A_7, %mul3A_8 : i32
      %add3A_10 = arith.constant 0 : i32
      %add3A_11 = arith.addi %add3A_10, %mul3A_9 : i32
      %mul3A_12 = arith.constant 80 : i32
      %mul3A_13 = arith.muli %add3A_11, %mul3A_12 : i32
      %add3A_14 = arith.addi %mul3A_2, %mul3A_13 : i32
      %multiple_of3A = tpu.assume_multiple %add3A_14, 8 : i32
      %dma_start3A = tpu.memref_slice %arg4[%multiple_of3A] : memref<320000xi32, #tpu.memory_space<hbm>> -> memref<80xi32, #tpu.memory_space<hbm>>
      %dma_start3A_15 = tpu.memref_slice %arg4[%multiple_of3A] : memref<320000xi32, #tpu.memory_space<hbm>> -> memref<80xi32, #tpu.memory_space<hbm>>
      tpu.enqueue_dma source(%dma_start3A_15 : memref<80xi32, #tpu.memory_space<hbm>>) target(%arg8 : memref<80xi32, #tpu.memory_space<vmem>>) target_semaphore(%arg12 : memref<!tpu.dma_semaphore, #tpu.memory_space<semaphore_mem>>)
      %dma_start3A_16 = tpu.memref_slice %arg5[%multiple_of3A] : memref<320000xi32, #tpu.memory_space<hbm>> -> memref<80xi32, #tpu.memory_space<hbm>>
      %dma_start3A_17 = tpu.memref_slice %arg5[%multiple_of3A] : memref<320000xi32, #tpu.memory_space<hbm>> -> memref<80xi32, #tpu.memory_space<hbm>>
      tpu.enqueue_dma source(%dma_start3A_17 : memref<80xi32, #tpu.memory_space<hbm>>) target(%arg9 : memref<80xi32, #tpu.memory_space<vmem>>) target_semaphore(%arg13 : memref<!tpu.dma_semaphore, #tpu.memory_space<semaphore_mem>>)
      %dma_wait3A = tpu.memref_slice %arg4[%multiple_of3A] : memref<320000xi32, #tpu.memory_space<hbm>> -> memref<80xi32, #tpu.memory_space<hbm>>
      %dma_wait3A_18 = tpu.memref_slice %arg4[%multiple_of3A] : memref<320000xi32, #tpu.memory_space<hbm>> -> memref<80xi32, #tpu.memory_space<hbm>>
      tpu.wait_dma2 semaphore(%arg12 : memref<!tpu.dma_semaphore, #tpu.memory_space<semaphore_mem>>) src(%dma_wait3A_18 : memref<80xi32, #tpu.memory_space<hbm>>) dst(%arg8 : memref<80xi32, #tpu.memory_space<vmem>>)
      %dma_wait3A_19 = tpu.memref_slice %arg5[%multiple_of3A] : memref<320000xi32, #tpu.memory_space<hbm>> -> memref<80xi32, #tpu.memory_space<hbm>>
      %dma_wait3A_20 = tpu.memref_slice %arg5[%multiple_of3A] : memref<320000xi32, #tpu.memory_space<hbm>> -> memref<80xi32, #tpu.memory_space<hbm>>
      tpu.wait_dma2 semaphore(%arg13 : memref<!tpu.dma_semaphore, #tpu.memory_space<semaphore_mem>>) src(%dma_wait3A_20 : memref<80xi32, #tpu.memory_space<hbm>>) dst(%arg9 : memref<80xi32, #tpu.memory_space<vmem>>)
      %dma_start3A_21 = arith.constant 0 : i32
      %dma_start3A_22 = arith.constant 0 : i32
      %dma_start3A_23 = tpu.memref_slice %arg2[%dma_start3A_21, %dma_start3A_22] : memref<10000x128xf32, #tpu.memory_space<hbm>> -> memref<10000x128xf32, #tpu.memory_space<hbm>>
      tpu.enqueue_indirect_dma source(%dma_start3A_23 : memref<10000x128xf32, #tpu.memory_space<hbm>>) target(%arg10 : memref<80x128xf32, #tpu.memory_space<vmem>>) offsets(%arg8 : memref<80xi32, #tpu.memory_space<vmem>>) semaphore(%arg12 : memref<!tpu.dma_semaphore, #tpu.memory_space<semaphore_mem>>)
      %dma_start3A_24 = arith.constant 0 : i32
      %dma_start3A_25 = arith.constant 0 : i32
      %dma_start3A_26 = tpu.memref_slice %arg3[%dma_start3A_24, %dma_start3A_25] : memref<10000x128xf32, #tpu.memory_space<hbm>> -> memref<10000x128xf32, #tpu.memory_space<hbm>>
      tpu.enqueue_indirect_dma source(%dma_start3A_26 : memref<10000x128xf32, #tpu.memory_space<hbm>>) target(%arg11 : memref<80x128xf32, #tpu.memory_space<vmem>>) offsets(%arg9 : memref<80xi32, #tpu.memory_space<vmem>>) semaphore(%arg13 : memref<!tpu.dma_semaphore, #tpu.memory_space<semaphore_mem>>)
      %dma_wait3A_27 = arith.constant 0 : i32
      %dma_wait3A_28 = arith.constant 0 : i32
      %dma_wait3A_29 = tpu.memref_slice %arg2[%dma_wait3A_27, %dma_wait3A_28] : memref<10000x128xf32, #tpu.memory_space<hbm>> -> memref<10000x128xf32, #tpu.memory_space<hbm>>
      tpu.wait_indirect_dma semaphore(%arg12 : memref<!tpu.dma_semaphore, #tpu.memory_space<semaphore_mem>>) src(%dma_wait3A_29 : memref<10000x128xf32, #tpu.memory_space<hbm>>) dst(%arg10 : memref<80x128xf32, #tpu.memory_space<vmem>>)
      %dma_wait3A_30 = arith.constant 0 : i32
      %dma_wait3A_31 = arith.constant 0 : i32
      %dma_wait3A_32 = tpu.memref_slice %arg3[%dma_wait3A_30, %dma_wait3A_31] : memref<10000x128xf32, #tpu.memory_space<hbm>> -> memref<10000x128xf32, #tpu.memory_space<hbm>>
      tpu.wait_indirect_dma semaphore(%arg13 : memref<!tpu.dma_semaphore, #tpu.memory_space<semaphore_mem>>) src(%dma_wait3A_32 : memref<10000x128xf32, #tpu.memory_space<hbm>>) dst(%arg11 : memref<80x128xf32, #tpu.memory_space<vmem>>)
      %dma_start3A_33 = arith.constant 0 : i32
      %dma_start3A_34 = tpu.memref_slice %arg6[%multiple_of3A, %dma_start3A_33] : memref<320000x128xf32, #tpu.memory_space<hbm>> -> memref<80x128xf32, #tpu.memory_space<hbm>>
      %dma_start3A_35 = arith.constant 0 : i32
      %dma_start3A_36 = tpu.memref_slice %arg6[%multiple_of3A, %dma_start3A_35] : memref<320000x128xf32, #tpu.memory_space<hbm>> -> memref<80x128xf32, #tpu.memory_space<hbm>>
      tpu.enqueue_dma source(%arg10 : memref<80x128xf32, #tpu.memory_space<vmem>>) target(%dma_start3A_36 : memref<80x128xf32, #tpu.memory_space<hbm>>) target_semaphore(%arg14 : memref<!tpu.dma_semaphore, #tpu.memory_space<semaphore_mem>>)
      %dma_start3A_37 = arith.constant 0 : i32
      %dma_start3A_38 = tpu.memref_slice %arg7[%multiple_of3A, %dma_start3A_37] : memref<320000x128xf32, #tpu.memory_space<hbm>> -> memref<80x128xf32, #tpu.memory_space<hbm>>
      %dma_start3A_39 = arith.constant 0 : i32
      %dma_start3A_40 = tpu.memref_slice %arg7[%multiple_of3A, %dma_start3A_39] : memref<320000x128xf32, #tpu.memory_space<hbm>> -> memref<80x128xf32, #tpu.memory_space<hbm>>
      tpu.enqueue_dma source(%arg11 : memref<80x128xf32, #tpu.memory_space<vmem>>) target(%dma_start3A_40 : memref<80x128xf32, #tpu.memory_space<hbm>>) target_semaphore(%arg15 : memref<!tpu.dma_semaphore, #tpu.memory_space<semaphore_mem>>)
      %dma_wait3A_41 = arith.constant 0 : i32
      %dma_wait3A_42 = tpu.memref_slice %arg6[%multiple_of3A, %dma_wait3A_41] : memref<320000x128xf32, #tpu.memory_space<hbm>> -> memref<80x128xf32, #tpu.memory_space<hbm>>
      %dma_wait3A_43 = arith.constant 0 : i32
      %dma_wait3A_44 = tpu.memref_slice %arg6[%multiple_of3A, %dma_wait3A_43] : memref<320000x128xf32, #tpu.memory_space<hbm>> -> memref<80x128xf32, #tpu.memory_space<hbm>>
      tpu.wait_dma2 semaphore(%arg14 : memref<!tpu.dma_semaphore, #tpu.memory_space<semaphore_mem>>) src(%arg10 : memref<80x128xf32, #tpu.memory_space<vmem>>) dst(%dma_wait3A_44 : memref<80x128xf32, #tpu.memory_space<hbm>>)
      %dma_wait3A_45 = arith.constant 0 : i32
      %dma_wait3A_46 = tpu.memref_slice %arg7[%multiple_of3A, %dma_wait3A_45] : memref<320000x128xf32, #tpu.memory_space<hbm>> -> memref<80x128xf32, #tpu.memory_space<hbm>>
      %dma_wait3A_47 = arith.constant 0 : i32
      %dma_wait3A_48 = tpu.memref_slice %arg7[%multiple_of3A, %dma_wait3A_47] : memref<320000x128xf32, #tpu.memory_space<hbm>> -> memref<80x128xf32, #tpu.memory_space<hbm>>
      tpu.wait_dma2 semaphore(%arg15 : memref<!tpu.dma_semaphore, #tpu.memory_space<semaphore_mem>>) src(%arg11 : memref<80x128xf32, #tpu.memory_space<vmem>>) dst(%dma_wait3A_48 : memref<80x128xf32, #tpu.memory_space<hbm>>)
    }
    %scan3A_6 = arith.constant 125 : i32
    return
  }
}

#map = affine_map<(d0, d1) -> (0, 0)>
#map1 = affine_map<(d0, d1) -> (0)>
module attributes {stable_mosaic.version = 14 : i64} {
  func.func @k(%arg0: i32, %arg1: i32, %arg2: memref<320000x128xf32, #tpu.memory_space<hbm>>, %arg3: memref<320000x128xf32, #tpu.memory_space<hbm>>, %arg4: memref<320000xi32, #tpu.memory_space<hbm>>, %arg5: memref<1000x128xf32, #tpu.memory_space<hbm>>, %arg6: memref<10000x128xf32, #tpu.memory_space<hbm>>, %arg7: memref<10000x128xf32, #tpu.memory_space<hbm>>, %arg8: memref<10000x128xf32, #tpu.memory_space<vmem_shared>>, %arg9: memref<80xi32, #tpu.memory_space<vmem>>, %arg10: memref<80x128xf32, #tpu.memory_space<vmem>>, %arg11: memref<!tpu.dma_semaphore, #tpu.memory_space<semaphore_mem>>, %arg12: memref<!tpu.dma_semaphore, #tpu.memory_space<semaphore_mem>>) attributes {dimension_semantics = [#tpu.dimension_semantics<core_parallel>, #tpu.dimension_semantics<subcore_parallel>], iteration_bounds = array<i64: 2, 16>, scalar_prefetch = 0 : i64, scratch_operands = 5 : i64, tpu.core_type = #tpu.core_type<sc_vector_subcore>, window_params = [{transform_indices = #map}, {transform_indices = #map}, {transform_indices = #map1}, {transform_indices = #map}, {transform_indices = #map}, {transform_indices = #map}]} {
    %mul3A = arith.constant 20000 : i32
    %mul3A_0 = arith.muli %arg1, %mul3A : i32
    %lt3A = arith.constant 10 : i32
    %lt3A_1 = arith.cmpi slt, %arg1, %lt3A : i32
    %convert_element_type3A = arith.extui %lt3A_1 : i1 to i32
    %cond3A = arith.constant 0 : i32
    %cond3A_2 = arith.cmpi ne, %convert_element_type3A, %cond3A : i32
    scf.if %cond3A_2 {
      %mul3A_18 = arith.constant 1000 : i32
      %mul3A_19 = arith.muli %arg1, %mul3A_18 : i32
      %multiple_of3A = tpu.assume_multiple %mul3A_19, 8 : i32
      %dma_start3A = arith.constant 0 : i32
      %dma_start3A_20 = tpu.memref_slice %arg8[%multiple_of3A, %dma_start3A] : memref<10000x128xf32, #tpu.memory_space<vmem_shared>> -> memref<1000x128xf32, #tpu.memory_space<vmem_shared>>
      tpu.enqueue_dma source(%arg5 : memref<1000x128xf32, #tpu.memory_space<hbm>>) target(%dma_start3A_20 : memref<1000x128xf32, #tpu.memory_space<vmem_shared>>) target_semaphore(%arg11 : memref<!tpu.dma_semaphore, #tpu.memory_space<semaphore_mem>>)
      %dma_wait3A = arith.constant 0 : i32
      %dma_wait3A_21 = tpu.memref_slice %arg8[%multiple_of3A, %dma_wait3A] : memref<10000x128xf32, #tpu.memory_space<vmem_shared>> -> memref<1000x128xf32, #tpu.memory_space<vmem_shared>>
      tpu.wait_dma2 semaphore(%arg11 : memref<!tpu.dma_semaphore, #tpu.memory_space<semaphore_mem>>) src(%arg5 : memref<1000x128xf32, #tpu.memory_space<hbm>>) dst(%dma_wait3A_21 : memref<1000x128xf32, #tpu.memory_space<vmem_shared>>)
    } else {
    }
    %barrier3A = arith.constant 0 : index
    tpu.barrier barrier_id(%barrier3A)
    %eq3A = arith.constant 0 : i32
    %eq3A_3 = arith.cmpi eq, %arg0, %eq3A : i32
    %convert_element_type3A_4 = arith.extui %eq3A_3 : i1 to i32
    %cond3A_5 = arith.constant 0 : i32
    %cond3A_6 = arith.cmpi ne, %convert_element_type3A_4, %cond3A_5 : i32
    scf.if %cond3A_6 {
      %scan3A = arith.constant 0 : i32
      %scan3A_18 = arith.constant 250 : i32
      %scan3A_19 = arith.addi %scan3A, %scan3A_18 : i32
      %scan3A_20 = arith.constant 1 : i32
      scf.for %scan3A_22 = %scan3A to %scan3A_19 step %scan3A_20  : i32 {
        %mul3A_23 = arith.constant 1 : i32
        %mul3A_24 = arith.muli %scan3A_22, %mul3A_23 : i32
        %add3A = arith.constant 0 : i32
        %add3A_25 = arith.addi %add3A, %mul3A_24 : i32
        %mul3A_26 = arith.constant 80 : i32
        %mul3A_27 = arith.muli %add3A_25, %mul3A_26 : i32
        %add3A_28 = arith.addi %mul3A_0, %mul3A_27 : i32
        %multiple_of3A = tpu.assume_multiple %add3A_28, 8 : i32
        %dma_start3A = tpu.memref_slice %arg4[%multiple_of3A] : memref<320000xi32, #tpu.memory_space<hbm>> -> memref<80xi32, #tpu.memory_space<hbm>>
        %dma_start3A_29 = tpu.memref_slice %arg4[%multiple_of3A] : memref<320000xi32, #tpu.memory_space<hbm>> -> memref<80xi32, #tpu.memory_space<hbm>>
        tpu.enqueue_dma source(%dma_start3A_29 : memref<80xi32, #tpu.memory_space<hbm>>) target(%arg9 : memref<80xi32, #tpu.memory_space<vmem>>) target_semaphore(%arg11 : memref<!tpu.dma_semaphore, #tpu.memory_space<semaphore_mem>>)
        %dma_start3A_30 = arith.constant 0 : i32
        %dma_start3A_31 = tpu.memref_slice %arg2[%multiple_of3A, %dma_start3A_30] : memref<320000x128xf32, #tpu.memory_space<hbm>> -> memref<80x128xf32, #tpu.memory_space<hbm>>
        %dma_start3A_32 = arith.constant 0 : i32
        %dma_start3A_33 = tpu.memref_slice %arg2[%multiple_of3A, %dma_start3A_32] : memref<320000x128xf32, #tpu.memory_space<hbm>> -> memref<80x128xf32, #tpu.memory_space<hbm>>
        tpu.enqueue_dma source(%dma_start3A_33 : memref<80x128xf32, #tpu.memory_space<hbm>>) target(%arg10 : memref<80x128xf32, #tpu.memory_space<vmem>>) target_semaphore(%arg12 : memref<!tpu.dma_semaphore, #tpu.memory_space<semaphore_mem>>)
        %dma_wait3A = tpu.memref_slice %arg4[%multiple_of3A] : memref<320000xi32, #tpu.memory_space<hbm>> -> memref<80xi32, #tpu.memory_space<hbm>>
        %dma_wait3A_34 = tpu.memref_slice %arg4[%multiple_of3A] : memref<320000xi32, #tpu.memory_space<hbm>> -> memref<80xi32, #tpu.memory_space<hbm>>
        tpu.wait_dma2 semaphore(%arg11 : memref<!tpu.dma_semaphore, #tpu.memory_space<semaphore_mem>>) src(%dma_wait3A_34 : memref<80xi32, #tpu.memory_space<hbm>>) dst(%arg9 : memref<80xi32, #tpu.memory_space<vmem>>)
        %dma_wait3A_35 = arith.constant 0 : i32
        %dma_wait3A_36 = tpu.memref_slice %arg2[%multiple_of3A, %dma_wait3A_35] : memref<320000x128xf32, #tpu.memory_space<hbm>> -> memref<80x128xf32, #tpu.memory_space<hbm>>
        %dma_wait3A_37 = arith.constant 0 : i32
        %dma_wait3A_38 = tpu.memref_slice %arg2[%multiple_of3A, %dma_wait3A_37] : memref<320000x128xf32, #tpu.memory_space<hbm>> -> memref<80x128xf32, #tpu.memory_space<hbm>>
        tpu.wait_dma2 semaphore(%arg12 : memref<!tpu.dma_semaphore, #tpu.memory_space<semaphore_mem>>) src(%dma_wait3A_38 : memref<80x128xf32, #tpu.memory_space<hbm>>) dst(%arg10 : memref<80x128xf32, #tpu.memory_space<vmem>>)
        "tpu.region"() ({
          %run_scoped3A = tpu.sem_alloc : memref<!tpu.dma_semaphore, #tpu.memory_space<semaphore_mem>>
          %dma_start3A_39 = arith.constant 0 : i32
          %dma_start3A_40 = arith.constant 0 : i32
          %dma_start3A_41 = tpu.memref_slice %arg8[%dma_start3A_39, %dma_start3A_40] : memref<10000x128xf32, #tpu.memory_space<vmem_shared>> -> memref<10000x128xf32, #tpu.memory_space<vmem_shared>>
          tpu.enqueue_indirect_dma source(%arg10 : memref<80x128xf32, #tpu.memory_space<vmem>>) target(%dma_start3A_41 : memref<10000x128xf32, #tpu.memory_space<vmem_shared>>) offsets(%arg9 : memref<80xi32, #tpu.memory_space<vmem>>) semaphore(%run_scoped3A : memref<!tpu.dma_semaphore, #tpu.memory_space<semaphore_mem>>) {add = true}
          %dma_wait3A_42 = arith.constant 0 : i32
          %dma_wait3A_43 = arith.constant 0 : i32
          %dma_wait3A_44 = tpu.memref_slice %arg8[%dma_wait3A_42, %dma_wait3A_43] : memref<10000x128xf32, #tpu.memory_space<vmem_shared>> -> memref<10000x128xf32, #tpu.memory_space<vmem_shared>>
          tpu.wait_indirect_dma semaphore(%run_scoped3A : memref<!tpu.dma_semaphore, #tpu.memory_space<semaphore_mem>>) src(%arg10 : memref<80x128xf32, #tpu.memory_space<vmem>>) dst(%dma_wait3A_44 : memref<10000x128xf32, #tpu.memory_space<vmem_shared>>)
          tpu.yield
        }) : () -> ()
      }
      %scan3A_21 = arith.constant 250 : i32
    } else {
    }
    %eq3A_7 = arith.constant 1 : i32
    %eq3A_8 = arith.cmpi eq, %arg0, %eq3A_7 : i32
    %convert_element_type3A_9 = arith.extui %eq3A_8 : i1 to i32
    %cond3A_10 = arith.constant 0 : i32
    %cond3A_11 = arith.cmpi ne, %convert_element_type3A_9, %cond3A_10 : i32
    scf.if %cond3A_11 {
      %scan3A = arith.constant 0 : i32
      %scan3A_18 = arith.constant 250 : i32
      %scan3A_19 = arith.addi %scan3A, %scan3A_18 : i32
      %scan3A_20 = arith.constant 1 : i32
      scf.for %scan3A_22 = %scan3A to %scan3A_19 step %scan3A_20  : i32 {
        %mul3A_23 = arith.constant 1 : i32
        %mul3A_24 = arith.muli %scan3A_22, %mul3A_23 : i32
        %add3A = arith.constant 0 : i32
        %add3A_25 = arith.addi %add3A, %mul3A_24 : i32
        %mul3A_26 = arith.constant 80 : i32
        %mul3A_27 = arith.muli %add3A_25, %mul3A_26 : i32
        %add3A_28 = arith.addi %mul3A_0, %mul3A_27 : i32
        %multiple_of3A = tpu.assume_multiple %add3A_28, 8 : i32
        %dma_start3A = tpu.memref_slice %arg4[%multiple_of3A] : memref<320000xi32, #tpu.memory_space<hbm>> -> memref<80xi32, #tpu.memory_space<hbm>>
        %dma_start3A_29 = tpu.memref_slice %arg4[%multiple_of3A] : memref<320000xi32, #tpu.memory_space<hbm>> -> memref<80xi32, #tpu.memory_space<hbm>>
        tpu.enqueue_dma source(%dma_start3A_29 : memref<80xi32, #tpu.memory_space<hbm>>) target(%arg9 : memref<80xi32, #tpu.memory_space<vmem>>) target_semaphore(%arg11 : memref<!tpu.dma_semaphore, #tpu.memory_space<semaphore_mem>>)
        %dma_start3A_30 = arith.constant 0 : i32
        %dma_start3A_31 = tpu.memref_slice %arg3[%multiple_of3A, %dma_start3A_30] : memref<320000x128xf32, #tpu.memory_space<hbm>> -> memref<80x128xf32, #tpu.memory_space<hbm>>
        %dma_start3A_32 = arith.constant 0 : i32
        %dma_start3A_33 = tpu.memref_slice %arg3[%multiple_of3A, %dma_start3A_32] : memref<320000x128xf32, #tpu.memory_space<hbm>> -> memref<80x128xf32, #tpu.memory_space<hbm>>
        tpu.enqueue_dma source(%dma_start3A_33 : memref<80x128xf32, #tpu.memory_space<hbm>>) target(%arg10 : memref<80x128xf32, #tpu.memory_space<vmem>>) target_semaphore(%arg12 : memref<!tpu.dma_semaphore, #tpu.memory_space<semaphore_mem>>)
        %dma_wait3A = tpu.memref_slice %arg4[%multiple_of3A] : memref<320000xi32, #tpu.memory_space<hbm>> -> memref<80xi32, #tpu.memory_space<hbm>>
        %dma_wait3A_34 = tpu.memref_slice %arg4[%multiple_of3A] : memref<320000xi32, #tpu.memory_space<hbm>> -> memref<80xi32, #tpu.memory_space<hbm>>
        tpu.wait_dma2 semaphore(%arg11 : memref<!tpu.dma_semaphore, #tpu.memory_space<semaphore_mem>>) src(%dma_wait3A_34 : memref<80xi32, #tpu.memory_space<hbm>>) dst(%arg9 : memref<80xi32, #tpu.memory_space<vmem>>)
        %dma_wait3A_35 = arith.constant 0 : i32
        %dma_wait3A_36 = tpu.memref_slice %arg3[%multiple_of3A, %dma_wait3A_35] : memref<320000x128xf32, #tpu.memory_space<hbm>> -> memref<80x128xf32, #tpu.memory_space<hbm>>
        %dma_wait3A_37 = arith.constant 0 : i32
        %dma_wait3A_38 = tpu.memref_slice %arg3[%multiple_of3A, %dma_wait3A_37] : memref<320000x128xf32, #tpu.memory_space<hbm>> -> memref<80x128xf32, #tpu.memory_space<hbm>>
        tpu.wait_dma2 semaphore(%arg12 : memref<!tpu.dma_semaphore, #tpu.memory_space<semaphore_mem>>) src(%dma_wait3A_38 : memref<80x128xf32, #tpu.memory_space<hbm>>) dst(%arg10 : memref<80x128xf32, #tpu.memory_space<vmem>>)
        "tpu.region"() ({
          %run_scoped3A = tpu.sem_alloc : memref<!tpu.dma_semaphore, #tpu.memory_space<semaphore_mem>>
          %dma_start3A_39 = arith.constant 0 : i32
          %dma_start3A_40 = arith.constant 0 : i32
          %dma_start3A_41 = tpu.memref_slice %arg8[%dma_start3A_39, %dma_start3A_40] : memref<10000x128xf32, #tpu.memory_space<vmem_shared>> -> memref<10000x128xf32, #tpu.memory_space<vmem_shared>>
          tpu.enqueue_indirect_dma source(%arg10 : memref<80x128xf32, #tpu.memory_space<vmem>>) target(%dma_start3A_41 : memref<10000x128xf32, #tpu.memory_space<vmem_shared>>) offsets(%arg9 : memref<80xi32, #tpu.memory_space<vmem>>) semaphore(%run_scoped3A : memref<!tpu.dma_semaphore, #tpu.memory_space<semaphore_mem>>) {add = true}
          %dma_wait3A_42 = arith.constant 0 : i32
          %dma_wait3A_43 = arith.constant 0 : i32
          %dma_wait3A_44 = tpu.memref_slice %arg8[%dma_wait3A_42, %dma_wait3A_43] : memref<10000x128xf32, #tpu.memory_space<vmem_shared>> -> memref<10000x128xf32, #tpu.memory_space<vmem_shared>>
          tpu.wait_indirect_dma semaphore(%run_scoped3A : memref<!tpu.dma_semaphore, #tpu.memory_space<semaphore_mem>>) src(%arg10 : memref<80x128xf32, #tpu.memory_space<vmem>>) dst(%dma_wait3A_44 : memref<10000x128xf32, #tpu.memory_space<vmem_shared>>)
          tpu.yield
        }) : () -> ()
      }
      %scan3A_21 = arith.constant 250 : i32
    } else {
    }
    %barrier3A_12 = arith.constant 0 : index
    tpu.barrier barrier_id(%barrier3A_12)
    %lt3A_13 = arith.constant 10 : i32
    %lt3A_14 = arith.cmpi slt, %arg1, %lt3A_13 : i32
    %convert_element_type3A_15 = arith.extui %lt3A_14 : i1 to i32
    %cond3A_16 = arith.constant 0 : i32
    %cond3A_17 = arith.cmpi ne, %convert_element_type3A_15, %cond3A_16 : i32
    scf.if %cond3A_17 {
      %mul3A_18 = arith.constant 1000 : i32
      %mul3A_19 = arith.muli %arg1, %mul3A_18 : i32
      %multiple_of3A = tpu.assume_multiple %mul3A_19, 8 : i32
      %eq3A_20 = arith.constant 0 : i32
      %eq3A_21 = arith.cmpi eq, %arg0, %eq3A_20 : i32
      %convert_element_type3A_22 = arith.extui %eq3A_21 : i1 to i32
      %cond3A_23 = arith.constant 0 : i32
      %cond3A_24 = arith.cmpi ne, %convert_element_type3A_22, %cond3A_23 : i32
      scf.if %cond3A_24 {
        %dma_start3A = arith.constant 0 : i32
        %dma_start3A_30 = tpu.memref_slice %arg6[%multiple_of3A, %dma_start3A] : memref<10000x128xf32, #tpu.memory_space<hbm>> -> memref<1000x128xf32, #tpu.memory_space<hbm>>
        %dma_start3A_31 = arith.constant 0 : i32
        %dma_start3A_32 = tpu.memref_slice %arg8[%multiple_of3A, %dma_start3A_31] : memref<10000x128xf32, #tpu.memory_space<vmem_shared>> -> memref<1000x128xf32, #tpu.memory_space<vmem_shared>>
        tpu.enqueue_dma source(%dma_start3A_32 : memref<1000x128xf32, #tpu.memory_space<vmem_shared>>) target(%dma_start3A_30 : memref<1000x128xf32, #tpu.memory_space<hbm>>) target_semaphore(%arg11 : memref<!tpu.dma_semaphore, #tpu.memory_space<semaphore_mem>>)
        %dma_wait3A = arith.constant 0 : i32
        %dma_wait3A_33 = tpu.memref_slice %arg6[%multiple_of3A, %dma_wait3A] : memref<10000x128xf32, #tpu.memory_space<hbm>> -> memref<1000x128xf32, #tpu.memory_space<hbm>>
        %dma_wait3A_34 = arith.constant 0 : i32
        %dma_wait3A_35 = tpu.memref_slice %arg8[%multiple_of3A, %dma_wait3A_34] : memref<10000x128xf32, #tpu.memory_space<vmem_shared>> -> memref<1000x128xf32, #tpu.memory_space<vmem_shared>>
        tpu.wait_dma2 semaphore(%arg11 : memref<!tpu.dma_semaphore, #tpu.memory_space<semaphore_mem>>) src(%dma_wait3A_35 : memref<1000x128xf32, #tpu.memory_space<vmem_shared>>) dst(%dma_wait3A_33 : memref<1000x128xf32, #tpu.memory_space<hbm>>)
      } else {
      }
      %eq3A_25 = arith.constant 1 : i32
      %eq3A_26 = arith.cmpi eq, %arg0, %eq3A_25 : i32
      %convert_element_type3A_27 = arith.extui %eq3A_26 : i1 to i32
      %cond3A_28 = arith.constant 0 : i32
      %cond3A_29 = arith.cmpi ne, %convert_element_type3A_27, %cond3A_28 : i32
      scf.if %cond3A_29 {
        %dma_start3A = arith.constant 0 : i32
        %dma_start3A_30 = tpu.memref_slice %arg7[%multiple_of3A, %dma_start3A] : memref<10000x128xf32, #tpu.memory_space<hbm>> -> memref<1000x128xf32, #tpu.memory_space<hbm>>
        %dma_start3A_31 = arith.constant 0 : i32
        %dma_start3A_32 = tpu.memref_slice %arg8[%multiple_of3A, %dma_start3A_31] : memref<10000x128xf32, #tpu.memory_space<vmem_shared>> -> memref<1000x128xf32, #tpu.memory_space<vmem_shared>>
        tpu.enqueue_dma source(%dma_start3A_32 : memref<1000x128xf32, #tpu.memory_space<vmem_shared>>) target(%dma_start3A_30 : memref<1000x128xf32, #tpu.memory_space<hbm>>) target_semaphore(%arg11 : memref<!tpu.dma_semaphore, #tpu.memory_space<semaphore_mem>>)
        %dma_wait3A = arith.constant 0 : i32
        %dma_wait3A_33 = tpu.memref_slice %arg7[%multiple_of3A, %dma_wait3A] : memref<10000x128xf32, #tpu.memory_space<hbm>> -> memref<1000x128xf32, #tpu.memory_space<hbm>>
        %dma_wait3A_34 = arith.constant 0 : i32
        %dma_wait3A_35 = tpu.memref_slice %arg8[%multiple_of3A, %dma_wait3A_34] : memref<10000x128xf32, #tpu.memory_space<vmem_shared>> -> memref<1000x128xf32, #tpu.memory_space<vmem_shared>>
        tpu.wait_dma2 semaphore(%arg11 : memref<!tpu.dma_semaphore, #tpu.memory_space<semaphore_mem>>) src(%dma_wait3A_35 : memref<1000x128xf32, #tpu.memory_space<vmem_shared>>) dst(%dma_wait3A_33 : memref<1000x128xf32, #tpu.memory_space<hbm>>)
      } else {
      }
    } else {
    }
    return
  }
}

#map = affine_map<(d0, d1) -> (0, 0)>
#map1 = affine_map<(d0, d1) -> (0)>
module attributes {stable_mosaic.version = 14 : i64} {
  func.func @k(%arg0: i32, %arg1: i32, %arg2: memref<10000x128xf32, #tpu.memory_space<hbm>>, %arg3: memref<10000x128xf32, #tpu.memory_space<hbm>>, %arg4: memref<320000xi32, #tpu.memory_space<hbm>>, %arg5: memref<320000xi32, #tpu.memory_space<hbm>>, %arg6: memref<320000x128xf32, #tpu.memory_space<hbm>>, %arg7: memref<320000x128xf32, #tpu.memory_space<hbm>>, %arg8: memref<80xi32, #tpu.memory_space<vmem>>, %arg9: memref<80xi32, #tpu.memory_space<vmem>>, %arg10: memref<80x128xf32, #tpu.memory_space<vmem>>, %arg11: memref<80x128xf32, #tpu.memory_space<vmem>>, %arg12: memref<!tpu.dma_semaphore, #tpu.memory_space<semaphore_mem>>, %arg13: memref<!tpu.dma_semaphore, #tpu.memory_space<semaphore_mem>>, %arg14: memref<!tpu.dma_semaphore, #tpu.memory_space<semaphore_mem>>, %arg15: memref<!tpu.dma_semaphore, #tpu.memory_space<semaphore_mem>>) attributes {dimension_semantics = [#tpu.dimension_semantics<core_parallel>, #tpu.dimension_semantics<subcore_parallel>], iteration_bounds = array<i64: 2, 16>, scalar_prefetch = 0 : i64, scratch_operands = 8 : i64, tpu.core_type = #tpu.core_type<sc_vector_subcore>, window_params = [{transform_indices = #map}, {transform_indices = #map}, {transform_indices = #map1}, {transform_indices = #map1}, {transform_indices = #map}, {transform_indices = #map}]} {
    %mul3A = arith.constant 16 : i32
    %mul3A_0 = arith.muli %arg0, %mul3A : i32
    %add3A = arith.addi %mul3A_0, %arg1 : i32
    %mul3A_1 = arith.constant 10000 : i32
    %mul3A_2 = arith.muli %add3A, %mul3A_1 : i32
    %scan3A = arith.constant 0 : i32
    %scan3A_3 = arith.constant 125 : i32
    %scan3A_4 = arith.addi %scan3A, %scan3A_3 : i32
    %scan3A_5 = arith.constant 1 : i32
    scf.for %scan3A_7 = %scan3A to %scan3A_4 step %scan3A_5  : i32 {
      %mul3A_8 = arith.constant 1 : i32
      %mul3A_9 = arith.muli %scan3A_7, %mul3A_8 : i32
      %add3A_10 = arith.constant 0 : i32
      %add3A_11 = arith.addi %add3A_10, %mul3A_9 : i32
      %mul3A_12 = arith.constant 80 : i32
      %mul3A_13 = arith.muli %add3A_11, %mul3A_12 : i32
      %add3A_14 = arith.addi %mul3A_2, %mul3A_13 : i32
      %multiple_of3A = tpu.assume_multiple %add3A_14, 8 : i32
      %dma_start3A = tpu.memref_slice %arg4[%multiple_of3A] : memref<320000xi32, #tpu.memory_space<hbm>> -> memref<80xi32, #tpu.memory_space<hbm>>
      %dma_start3A_15 = tpu.memref_slice %arg4[%multiple_of3A] : memref<320000xi32, #tpu.memory_space<hbm>> -> memref<80xi32, #tpu.memory_space<hbm>>
      tpu.enqueue_dma source(%dma_start3A_15 : memref<80xi32, #tpu.memory_space<hbm>>) target(%arg8 : memref<80xi32, #tpu.memory_space<vmem>>) target_semaphore(%arg12 : memref<!tpu.dma_semaphore, #tpu.memory_space<semaphore_mem>>)
      %dma_start3A_16 = tpu.memref_slice %arg5[%multiple_of3A] : memref<320000xi32, #tpu.memory_space<hbm>> -> memref<80xi32, #tpu.memory_space<hbm>>
      %dma_start3A_17 = tpu.memref_slice %arg5[%multiple_of3A] : memref<320000xi32, #tpu.memory_space<hbm>> -> memref<80xi32, #tpu.memory_space<hbm>>
      tpu.enqueue_dma source(%dma_start3A_17 : memref<80xi32, #tpu.memory_space<hbm>>) target(%arg9 : memref<80xi32, #tpu.memory_space<vmem>>) target_semaphore(%arg13 : memref<!tpu.dma_semaphore, #tpu.memory_space<semaphore_mem>>)
      %dma_wait3A = tpu.memref_slice %arg4[%multiple_of3A] : memref<320000xi32, #tpu.memory_space<hbm>> -> memref<80xi32, #tpu.memory_space<hbm>>
      %dma_wait3A_18 = tpu.memref_slice %arg4[%multiple_of3A] : memref<320000xi32, #tpu.memory_space<hbm>> -> memref<80xi32, #tpu.memory_space<hbm>>
      tpu.wait_dma2 semaphore(%arg12 : memref<!tpu.dma_semaphore, #tpu.memory_space<semaphore_mem>>) src(%dma_wait3A_18 : memref<80xi32, #tpu.memory_space<hbm>>) dst(%arg8 : memref<80xi32, #tpu.memory_space<vmem>>)
      %dma_wait3A_19 = tpu.memref_slice %arg5[%multiple_of3A] : memref<320000xi32, #tpu.memory_space<hbm>> -> memref<80xi32, #tpu.memory_space<hbm>>
      %dma_wait3A_20 = tpu.memref_slice %arg5[%multiple_of3A] : memref<320000xi32, #tpu.memory_space<hbm>> -> memref<80xi32, #tpu.memory_space<hbm>>
      tpu.wait_dma2 semaphore(%arg13 : memref<!tpu.dma_semaphore, #tpu.memory_space<semaphore_mem>>) src(%dma_wait3A_20 : memref<80xi32, #tpu.memory_space<hbm>>) dst(%arg9 : memref<80xi32, #tpu.memory_space<vmem>>)
      %dma_start3A_21 = arith.constant 0 : i32
      %dma_start3A_22 = arith.constant 0 : i32
      %dma_start3A_23 = tpu.memref_slice %arg2[%dma_start3A_21, %dma_start3A_22] : memref<10000x128xf32, #tpu.memory_space<hbm>> -> memref<10000x128xf32, #tpu.memory_space<hbm>>
      tpu.enqueue_indirect_dma source(%dma_start3A_23 : memref<10000x128xf32, #tpu.memory_space<hbm>>) target(%arg10 : memref<80x128xf32, #tpu.memory_space<vmem>>) offsets(%arg8 : memref<80xi32, #tpu.memory_space<vmem>>) semaphore(%arg12 : memref<!tpu.dma_semaphore, #tpu.memory_space<semaphore_mem>>)
      %dma_start3A_24 = arith.constant 0 : i32
      %dma_start3A_25 = arith.constant 0 : i32
      %dma_start3A_26 = tpu.memref_slice %arg3[%dma_start3A_24, %dma_start3A_25] : memref<10000x128xf32, #tpu.memory_space<hbm>> -> memref<10000x128xf32, #tpu.memory_space<hbm>>
      tpu.enqueue_indirect_dma source(%dma_start3A_26 : memref<10000x128xf32, #tpu.memory_space<hbm>>) target(%arg11 : memref<80x128xf32, #tpu.memory_space<vmem>>) offsets(%arg9 : memref<80xi32, #tpu.memory_space<vmem>>) semaphore(%arg13 : memref<!tpu.dma_semaphore, #tpu.memory_space<semaphore_mem>>)
      %dma_wait3A_27 = arith.constant 0 : i32
      %dma_wait3A_28 = arith.constant 0 : i32
      %dma_wait3A_29 = tpu.memref_slice %arg2[%dma_wait3A_27, %dma_wait3A_28] : memref<10000x128xf32, #tpu.memory_space<hbm>> -> memref<10000x128xf32, #tpu.memory_space<hbm>>
      tpu.wait_indirect_dma semaphore(%arg12 : memref<!tpu.dma_semaphore, #tpu.memory_space<semaphore_mem>>) src(%dma_wait3A_29 : memref<10000x128xf32, #tpu.memory_space<hbm>>) dst(%arg10 : memref<80x128xf32, #tpu.memory_space<vmem>>)
      %dma_wait3A_30 = arith.constant 0 : i32
      %dma_wait3A_31 = arith.constant 0 : i32
      %dma_wait3A_32 = tpu.memref_slice %arg3[%dma_wait3A_30, %dma_wait3A_31] : memref<10000x128xf32, #tpu.memory_space<hbm>> -> memref<10000x128xf32, #tpu.memory_space<hbm>>
      tpu.wait_indirect_dma semaphore(%arg13 : memref<!tpu.dma_semaphore, #tpu.memory_space<semaphore_mem>>) src(%dma_wait3A_32 : memref<10000x128xf32, #tpu.memory_space<hbm>>) dst(%arg11 : memref<80x128xf32, #tpu.memory_space<vmem>>)
      %dma_start3A_33 = arith.constant 0 : i32
      %dma_start3A_34 = tpu.memref_slice %arg6[%multiple_of3A, %dma_start3A_33] : memref<320000x128xf32, #tpu.memory_space<hbm>> -> memref<80x128xf32, #tpu.memory_space<hbm>>
      %dma_start3A_35 = arith.constant 0 : i32
      %dma_start3A_36 = tpu.memref_slice %arg6[%multiple_of3A, %dma_start3A_35] : memref<320000x128xf32, #tpu.memory_space<hbm>> -> memref<80x128xf32, #tpu.memory_space<hbm>>
      tpu.enqueue_dma source(%arg10 : memref<80x128xf32, #tpu.memory_space<vmem>>) target(%dma_start3A_36 : memref<80x128xf32, #tpu.memory_space<hbm>>) target_semaphore(%arg14 : memref<!tpu.dma_semaphore, #tpu.memory_space<semaphore_mem>>)
      %dma_start3A_37 = arith.constant 0 : i32
      %dma_start3A_38 = tpu.memref_slice %arg7[%multiple_of3A, %dma_start3A_37] : memref<320000x128xf32, #tpu.memory_space<hbm>> -> memref<80x128xf32, #tpu.memory_space<hbm>>
      %dma_start3A_39 = arith.constant 0 : i32
      %dma_start3A_40 = tpu.memref_slice %arg7[%multiple_of3A, %dma_start3A_39] : memref<320000x128xf32, #tpu.memory_space<hbm>> -> memref<80x128xf32, #tpu.memory_space<hbm>>
      tpu.enqueue_dma source(%arg11 : memref<80x128xf32, #tpu.memory_space<vmem>>) target(%dma_start3A_40 : memref<80x128xf32, #tpu.memory_space<hbm>>) target_semaphore(%arg15 : memref<!tpu.dma_semaphore, #tpu.memory_space<semaphore_mem>>)
      %dma_wait3A_41 = arith.constant 0 : i32
      %dma_wait3A_42 = tpu.memref_slice %arg6[%multiple_of3A, %dma_wait3A_41] : memref<320000x128xf32, #tpu.memory_space<hbm>> -> memref<80x128xf32, #tpu.memory_space<hbm>>
      %dma_wait3A_43 = arith.constant 0 : i32
      %dma_wait3A_44 = tpu.memref_slice %arg6[%multiple_of3A, %dma_wait3A_43] : memref<320000x128xf32, #tpu.memory_space<hbm>> -> memref<80x128xf32, #tpu.memory_space<hbm>>
      tpu.wait_dma2 semaphore(%arg14 : memref<!tpu.dma_semaphore, #tpu.memory_space<semaphore_mem>>) src(%arg10 : memref<80x128xf32, #tpu.memory_space<vmem>>) dst(%dma_wait3A_44 : memref<80x128xf32, #tpu.memory_space<hbm>>)
      %dma_wait3A_45 = arith.constant 0 : i32
      %dma_wait3A_46 = tpu.memref_slice %arg7[%multiple_of3A, %dma_wait3A_45] : memref<320000x128xf32, #tpu.memory_space<hbm>> -> memref<80x128xf32, #tpu.memory_space<hbm>>
      %dma_wait3A_47 = arith.constant 0 : i32
      %dma_wait3A_48 = tpu.memref_slice %arg7[%multiple_of3A, %dma_wait3A_47] : memref<320000x128xf32, #tpu.memory_space<hbm>> -> memref<80x128xf32, #tpu.memory_space<hbm>>
      tpu.wait_dma2 semaphore(%arg15 : memref<!tpu.dma_semaphore, #tpu.memory_space<semaphore_mem>>) src(%arg11 : memref<80x128xf32, #tpu.memory_space<vmem>>) dst(%dma_wait3A_48 : memref<80x128xf32, #tpu.memory_space<hbm>>)
    }
    %scan3A_6 = arith.constant 125 : i32
    return
  }
}

#map = affine_map<(d0, d1) -> (0, 0)>
#map1 = affine_map<(d0, d1) -> (0)>
module attributes {stable_mosaic.version = 14 : i64} {
  func.func @k(%arg0: i32, %arg1: i32, %arg2: memref<320000x128xf32, #tpu.memory_space<hbm>>, %arg3: memref<320000x128xf32, #tpu.memory_space<hbm>>, %arg4: memref<320000xi32, #tpu.memory_space<hbm>>, %arg5: memref<1000x128xf32, #tpu.memory_space<hbm>>, %arg6: memref<10000x128xf32, #tpu.memory_space<hbm>>, %arg7: memref<10000x128xf32, #tpu.memory_space<hbm>>, %arg8: memref<10000x128xf32, #tpu.memory_space<vmem_shared>>, %arg9: memref<80xi32, #tpu.memory_space<vmem>>, %arg10: memref<80x128xf32, #tpu.memory_space<vmem>>, %arg11: memref<!tpu.dma_semaphore, #tpu.memory_space<semaphore_mem>>, %arg12: memref<!tpu.dma_semaphore, #tpu.memory_space<semaphore_mem>>) attributes {dimension_semantics = [#tpu.dimension_semantics<core_parallel>, #tpu.dimension_semantics<subcore_parallel>], iteration_bounds = array<i64: 2, 16>, scalar_prefetch = 0 : i64, scratch_operands = 5 : i64, tpu.core_type = #tpu.core_type<sc_vector_subcore>, window_params = [{transform_indices = #map}, {transform_indices = #map}, {transform_indices = #map1}, {transform_indices = #map}, {transform_indices = #map}, {transform_indices = #map}]} {
    %mul3A = arith.constant 20000 : i32
    %mul3A_0 = arith.muli %arg1, %mul3A : i32
    %lt3A = arith.constant 10 : i32
    %lt3A_1 = arith.cmpi slt, %arg1, %lt3A : i32
    %convert_element_type3A = arith.extui %lt3A_1 : i1 to i32
    %cond3A = arith.constant 0 : i32
    %cond3A_2 = arith.cmpi ne, %convert_element_type3A, %cond3A : i32
    scf.if %cond3A_2 {
      %mul3A_18 = arith.constant 1000 : i32
      %mul3A_19 = arith.muli %arg1, %mul3A_18 : i32
      %multiple_of3A = tpu.assume_multiple %mul3A_19, 8 : i32
      %dma_start3A = arith.constant 0 : i32
      %dma_start3A_20 = tpu.memref_slice %arg8[%multiple_of3A, %dma_start3A] : memref<10000x128xf32, #tpu.memory_space<vmem_shared>> -> memref<1000x128xf32, #tpu.memory_space<vmem_shared>>
      tpu.enqueue_dma source(%arg5 : memref<1000x128xf32, #tpu.memory_space<hbm>>) target(%dma_start3A_20 : memref<1000x128xf32, #tpu.memory_space<vmem_shared>>) target_semaphore(%arg11 : memref<!tpu.dma_semaphore, #tpu.memory_space<semaphore_mem>>)
      %dma_wait3A = arith.constant 0 : i32
      %dma_wait3A_21 = tpu.memref_slice %arg8[%multiple_of3A, %dma_wait3A] : memref<10000x128xf32, #tpu.memory_space<vmem_shared>> -> memref<1000x128xf32, #tpu.memory_space<vmem_shared>>
      tpu.wait_dma2 semaphore(%arg11 : memref<!tpu.dma_semaphore, #tpu.memory_space<semaphore_mem>>) src(%arg5 : memref<1000x128xf32, #tpu.memory_space<hbm>>) dst(%dma_wait3A_21 : memref<1000x128xf32, #tpu.memory_space<vmem_shared>>)
    } else {
    }
    %barrier3A = arith.constant 0 : index
    tpu.barrier barrier_id(%barrier3A)
    %eq3A = arith.constant 0 : i32
    %eq3A_3 = arith.cmpi eq, %arg0, %eq3A : i32
    %convert_element_type3A_4 = arith.extui %eq3A_3 : i1 to i32
    %cond3A_5 = arith.constant 0 : i32
    %cond3A_6 = arith.cmpi ne, %convert_element_type3A_4, %cond3A_5 : i32
    scf.if %cond3A_6 {
      %scan3A = arith.constant 0 : i32
      %scan3A_18 = arith.constant 250 : i32
      %scan3A_19 = arith.addi %scan3A, %scan3A_18 : i32
      %scan3A_20 = arith.constant 1 : i32
      scf.for %scan3A_22 = %scan3A to %scan3A_19 step %scan3A_20  : i32 {
        %mul3A_23 = arith.constant 1 : i32
        %mul3A_24 = arith.muli %scan3A_22, %mul3A_23 : i32
        %add3A = arith.constant 0 : i32
        %add3A_25 = arith.addi %add3A, %mul3A_24 : i32
        %mul3A_26 = arith.constant 80 : i32
        %mul3A_27 = arith.muli %add3A_25, %mul3A_26 : i32
        %add3A_28 = arith.addi %mul3A_0, %mul3A_27 : i32
        %multiple_of3A = tpu.assume_multiple %add3A_28, 8 : i32
        %dma_start3A = tpu.memref_slice %arg4[%multiple_of3A] : memref<320000xi32, #tpu.memory_space<hbm>> -> memref<80xi32, #tpu.memory_space<hbm>>
        %dma_start3A_29 = tpu.memref_slice %arg4[%multiple_of3A] : memref<320000xi32, #tpu.memory_space<hbm>> -> memref<80xi32, #tpu.memory_space<hbm>>
        tpu.enqueue_dma source(%dma_start3A_29 : memref<80xi32, #tpu.memory_space<hbm>>) target(%arg9 : memref<80xi32, #tpu.memory_space<vmem>>) target_semaphore(%arg11 : memref<!tpu.dma_semaphore, #tpu.memory_space<semaphore_mem>>)
        %dma_start3A_30 = arith.constant 0 : i32
        %dma_start3A_31 = tpu.memref_slice %arg2[%multiple_of3A, %dma_start3A_30] : memref<320000x128xf32, #tpu.memory_space<hbm>> -> memref<80x128xf32, #tpu.memory_space<hbm>>
        %dma_start3A_32 = arith.constant 0 : i32
        %dma_start3A_33 = tpu.memref_slice %arg2[%multiple_of3A, %dma_start3A_32] : memref<320000x128xf32, #tpu.memory_space<hbm>> -> memref<80x128xf32, #tpu.memory_space<hbm>>
        tpu.enqueue_dma source(%dma_start3A_33 : memref<80x128xf32, #tpu.memory_space<hbm>>) target(%arg10 : memref<80x128xf32, #tpu.memory_space<vmem>>) target_semaphore(%arg12 : memref<!tpu.dma_semaphore, #tpu.memory_space<semaphore_mem>>)
        %dma_wait3A = tpu.memref_slice %arg4[%multiple_of3A] : memref<320000xi32, #tpu.memory_space<hbm>> -> memref<80xi32, #tpu.memory_space<hbm>>
        %dma_wait3A_34 = tpu.memref_slice %arg4[%multiple_of3A] : memref<320000xi32, #tpu.memory_space<hbm>> -> memref<80xi32, #tpu.memory_space<hbm>>
        tpu.wait_dma2 semaphore(%arg11 : memref<!tpu.dma_semaphore, #tpu.memory_space<semaphore_mem>>) src(%dma_wait3A_34 : memref<80xi32, #tpu.memory_space<hbm>>) dst(%arg9 : memref<80xi32, #tpu.memory_space<vmem>>)
        %dma_wait3A_35 = arith.constant 0 : i32
        %dma_wait3A_36 = tpu.memref_slice %arg2[%multiple_of3A, %dma_wait3A_35] : memref<320000x128xf32, #tpu.memory_space<hbm>> -> memref<80x128xf32, #tpu.memory_space<hbm>>
        %dma_wait3A_37 = arith.constant 0 : i32
        %dma_wait3A_38 = tpu.memref_slice %arg2[%multiple_of3A, %dma_wait3A_37] : memref<320000x128xf32, #tpu.memory_space<hbm>> -> memref<80x128xf32, #tpu.memory_space<hbm>>
        tpu.wait_dma2 semaphore(%arg12 : memref<!tpu.dma_semaphore, #tpu.memory_space<semaphore_mem>>) src(%dma_wait3A_38 : memref<80x128xf32, #tpu.memory_space<hbm>>) dst(%arg10 : memref<80x128xf32, #tpu.memory_space<vmem>>)
        "tpu.region"() ({
          %run_scoped3A = tpu.sem_alloc : memref<!tpu.dma_semaphore, #tpu.memory_space<semaphore_mem>>
          %dma_start3A_39 = arith.constant 0 : i32
          %dma_start3A_40 = arith.constant 0 : i32
          %dma_start3A_41 = tpu.memref_slice %arg8[%dma_start3A_39, %dma_start3A_40] : memref<10000x128xf32, #tpu.memory_space<vmem_shared>> -> memref<10000x128xf32, #tpu.memory_space<vmem_shared>>
          tpu.enqueue_indirect_dma source(%arg10 : memref<80x128xf32, #tpu.memory_space<vmem>>) target(%dma_start3A_41 : memref<10000x128xf32, #tpu.memory_space<vmem_shared>>) offsets(%arg9 : memref<80xi32, #tpu.memory_space<vmem>>) semaphore(%run_scoped3A : memref<!tpu.dma_semaphore, #tpu.memory_space<semaphore_mem>>) {add = true}
          %dma_wait3A_42 = arith.constant 0 : i32
          %dma_wait3A_43 = arith.constant 0 : i32
          %dma_wait3A_44 = tpu.memref_slice %arg8[%dma_wait3A_42, %dma_wait3A_43] : memref<10000x128xf32, #tpu.memory_space<vmem_shared>> -> memref<10000x128xf32, #tpu.memory_space<vmem_shared>>
          tpu.wait_indirect_dma semaphore(%run_scoped3A : memref<!tpu.dma_semaphore, #tpu.memory_space<semaphore_mem>>) src(%arg10 : memref<80x128xf32, #tpu.memory_space<vmem>>) dst(%dma_wait3A_44 : memref<10000x128xf32, #tpu.memory_space<vmem_shared>>)
          tpu.yield
        }) : () -> ()
      }
      %scan3A_21 = arith.constant 250 : i32
    } else {
    }
    %eq3A_7 = arith.constant 1 : i32
    %eq3A_8 = arith.cmpi eq, %arg0, %eq3A_7 : i32
    %convert_element_type3A_9 = arith.extui %eq3A_8 : i1 to i32
    %cond3A_10 = arith.constant 0 : i32
    %cond3A_11 = arith.cmpi ne, %convert_element_type3A_9, %cond3A_10 : i32
    scf.if %cond3A_11 {
      %scan3A = arith.constant 0 : i32
      %scan3A_18 = arith.constant 250 : i32
      %scan3A_19 = arith.addi %scan3A, %scan3A_18 : i32
      %scan3A_20 = arith.constant 1 : i32
      scf.for %scan3A_22 = %scan3A to %scan3A_19 step %scan3A_20  : i32 {
        %mul3A_23 = arith.constant 1 : i32
        %mul3A_24 = arith.muli %scan3A_22, %mul3A_23 : i32
        %add3A = arith.constant 0 : i32
        %add3A_25 = arith.addi %add3A, %mul3A_24 : i32
        %mul3A_26 = arith.constant 80 : i32
        %mul3A_27 = arith.muli %add3A_25, %mul3A_26 : i32
        %add3A_28 = arith.addi %mul3A_0, %mul3A_27 : i32
        %multiple_of3A = tpu.assume_multiple %add3A_28, 8 : i32
        %dma_start3A = tpu.memref_slice %arg4[%multiple_of3A] : memref<320000xi32, #tpu.memory_space<hbm>> -> memref<80xi32, #tpu.memory_space<hbm>>
        %dma_start3A_29 = tpu.memref_slice %arg4[%multiple_of3A] : memref<320000xi32, #tpu.memory_space<hbm>> -> memref<80xi32, #tpu.memory_space<hbm>>
        tpu.enqueue_dma source(%dma_start3A_29 : memref<80xi32, #tpu.memory_space<hbm>>) target(%arg9 : memref<80xi32, #tpu.memory_space<vmem>>) target_semaphore(%arg11 : memref<!tpu.dma_semaphore, #tpu.memory_space<semaphore_mem>>)
        %dma_start3A_30 = arith.constant 0 : i32
        %dma_start3A_31 = tpu.memref_slice %arg3[%multiple_of3A, %dma_start3A_30] : memref<320000x128xf32, #tpu.memory_space<hbm>> -> memref<80x128xf32, #tpu.memory_space<hbm>>
        %dma_start3A_32 = arith.constant 0 : i32
        %dma_start3A_33 = tpu.memref_slice %arg3[%multiple_of3A, %dma_start3A_32] : memref<320000x128xf32, #tpu.memory_space<hbm>> -> memref<80x128xf32, #tpu.memory_space<hbm>>
        tpu.enqueue_dma source(%dma_start3A_33 : memref<80x128xf32, #tpu.memory_space<hbm>>) target(%arg10 : memref<80x128xf32, #tpu.memory_space<vmem>>) target_semaphore(%arg12 : memref<!tpu.dma_semaphore, #tpu.memory_space<semaphore_mem>>)
        %dma_wait3A = tpu.memref_slice %arg4[%multiple_of3A] : memref<320000xi32, #tpu.memory_space<hbm>> -> memref<80xi32, #tpu.memory_space<hbm>>
        %dma_wait3A_34 = tpu.memref_slice %arg4[%multiple_of3A] : memref<320000xi32, #tpu.memory_space<hbm>> -> memref<80xi32, #tpu.memory_space<hbm>>
        tpu.wait_dma2 semaphore(%arg11 : memref<!tpu.dma_semaphore, #tpu.memory_space<semaphore_mem>>) src(%dma_wait3A_34 : memref<80xi32, #tpu.memory_space<hbm>>) dst(%arg9 : memref<80xi32, #tpu.memory_space<vmem>>)
        %dma_wait3A_35 = arith.constant 0 : i32
        %dma_wait3A_36 = tpu.memref_slice %arg3[%multiple_of3A, %dma_wait3A_35] : memref<320000x128xf32, #tpu.memory_space<hbm>> -> memref<80x128xf32, #tpu.memory_space<hbm>>
        %dma_wait3A_37 = arith.constant 0 : i32
        %dma_wait3A_38 = tpu.memref_slice %arg3[%multiple_of3A, %dma_wait3A_37] : memref<320000x128xf32, #tpu.memory_space<hbm>> -> memref<80x128xf32, #tpu.memory_space<hbm>>
        tpu.wait_dma2 semaphore(%arg12 : memref<!tpu.dma_semaphore, #tpu.memory_space<semaphore_mem>>) src(%dma_wait3A_38 : memref<80x128xf32, #tpu.memory_space<hbm>>) dst(%arg10 : memref<80x128xf32, #tpu.memory_space<vmem>>)
        "tpu.region"() ({
          %run_scoped3A = tpu.sem_alloc : memref<!tpu.dma_semaphore, #tpu.memory_space<semaphore_mem>>
          %dma_start3A_39 = arith.constant 0 : i32
          %dma_start3A_40 = arith.constant 0 : i32
          %dma_start3A_41 = tpu.memref_slice %arg8[%dma_start3A_39, %dma_start3A_40] : memref<10000x128xf32, #tpu.memory_space<vmem_shared>> -> memref<10000x128xf32, #tpu.memory_space<vmem_shared>>
          tpu.enqueue_indirect_dma source(%arg10 : memref<80x128xf32, #tpu.memory_space<vmem>>) target(%dma_start3A_41 : memref<10000x128xf32, #tpu.memory_space<vmem_shared>>) offsets(%arg9 : memref<80xi32, #tpu.memory_space<vmem>>) semaphore(%run_scoped3A : memref<!tpu.dma_semaphore, #tpu.memory_space<semaphore_mem>>) {add = true}
          %dma_wait3A_42 = arith.constant 0 : i32
          %dma_wait3A_43 = arith.constant 0 : i32
          %dma_wait3A_44 = tpu.memref_slice %arg8[%dma_wait3A_42, %dma_wait3A_43] : memref<10000x128xf32, #tpu.memory_space<vmem_shared>> -> memref<10000x128xf32, #tpu.memory_space<vmem_shared>>
          tpu.wait_indirect_dma semaphore(%run_scoped3A : memref<!tpu.dma_semaphore, #tpu.memory_space<semaphore_mem>>) src(%arg10 : memref<80x128xf32, #tpu.memory_space<vmem>>) dst(%dma_wait3A_44 : memref<10000x128xf32, #tpu.memory_space<vmem_shared>>)
          tpu.yield
        }) : () -> ()
      }
      %scan3A_21 = arith.constant 250 : i32
    } else {
    }
    %barrier3A_12 = arith.constant 0 : index
    tpu.barrier barrier_id(%barrier3A_12)
    %lt3A_13 = arith.constant 10 : i32
    %lt3A_14 = arith.cmpi slt, %arg1, %lt3A_13 : i32
    %convert_element_type3A_15 = arith.extui %lt3A_14 : i1 to i32
    %cond3A_16 = arith.constant 0 : i32
    %cond3A_17 = arith.cmpi ne, %convert_element_type3A_15, %cond3A_16 : i32
    scf.if %cond3A_17 {
      %mul3A_18 = arith.constant 1000 : i32
      %mul3A_19 = arith.muli %arg1, %mul3A_18 : i32
      %multiple_of3A = tpu.assume_multiple %mul3A_19, 8 : i32
      %eq3A_20 = arith.constant 0 : i32
      %eq3A_21 = arith.cmpi eq, %arg0, %eq3A_20 : i32
      %convert_element_type3A_22 = arith.extui %eq3A_21 : i1 to i32
      %cond3A_23 = arith.constant 0 : i32
      %cond3A_24 = arith.cmpi ne, %convert_element_type3A_22, %cond3A_23 : i32
      scf.if %cond3A_24 {
        %dma_start3A = arith.constant 0 : i32
        %dma_start3A_30 = tpu.memref_slice %arg6[%multiple_of3A, %dma_start3A] : memref<10000x128xf32, #tpu.memory_space<hbm>> -> memref<1000x128xf32, #tpu.memory_space<hbm>>
        %dma_start3A_31 = arith.constant 0 : i32
        %dma_start3A_32 = tpu.memref_slice %arg8[%multiple_of3A, %dma_start3A_31] : memref<10000x128xf32, #tpu.memory_space<vmem_shared>> -> memref<1000x128xf32, #tpu.memory_space<vmem_shared>>
        tpu.enqueue_dma source(%dma_start3A_32 : memref<1000x128xf32, #tpu.memory_space<vmem_shared>>) target(%dma_start3A_30 : memref<1000x128xf32, #tpu.memory_space<hbm>>) target_semaphore(%arg11 : memref<!tpu.dma_semaphore, #tpu.memory_space<semaphore_mem>>)
        %dma_wait3A = arith.constant 0 : i32
        %dma_wait3A_33 = tpu.memref_slice %arg6[%multiple_of3A, %dma_wait3A] : memref<10000x128xf32, #tpu.memory_space<hbm>> -> memref<1000x128xf32, #tpu.memory_space<hbm>>
        %dma_wait3A_34 = arith.constant 0 : i32
        %dma_wait3A_35 = tpu.memref_slice %arg8[%multiple_of3A, %dma_wait3A_34] : memref<10000x128xf32, #tpu.memory_space<vmem_shared>> -> memref<1000x128xf32, #tpu.memory_space<vmem_shared>>
        tpu.wait_dma2 semaphore(%arg11 : memref<!tpu.dma_semaphore, #tpu.memory_space<semaphore_mem>>) src(%dma_wait3A_35 : memref<1000x128xf32, #tpu.memory_space<vmem_shared>>) dst(%dma_wait3A_33 : memref<1000x128xf32, #tpu.memory_space<hbm>>)
      } else {
      }
      %eq3A_25 = arith.constant 1 : i32
      %eq3A_26 = arith.cmpi eq, %arg0, %eq3A_25 : i32
      %convert_element_type3A_27 = arith.extui %eq3A_26 : i1 to i32
      %cond3A_28 = arith.constant 0 : i32
      %cond3A_29 = arith.cmpi ne, %convert_element_type3A_27, %cond3A_28 : i32
      scf.if %cond3A_29 {
        %dma_start3A = arith.constant 0 : i32
        %dma_start3A_30 = tpu.memref_slice %arg7[%multiple_of3A, %dma_start3A] : memref<10000x128xf32, #tpu.memory_space<hbm>> -> memref<1000x128xf32, #tpu.memory_space<hbm>>
        %dma_start3A_31 = arith.constant 0 : i32
        %dma_start3A_32 = tpu.memref_slice %arg8[%multiple_of3A, %dma_start3A_31] : memref<10000x128xf32, #tpu.memory_space<vmem_shared>> -> memref<1000x128xf32, #tpu.memory_space<vmem_shared>>
        tpu.enqueue_dma source(%dma_start3A_32 : memref<1000x128xf32, #tpu.memory_space<vmem_shared>>) target(%dma_start3A_30 : memref<1000x128xf32, #tpu.memory_space<hbm>>) target_semaphore(%arg11 : memref<!tpu.dma_semaphore, #tpu.memory_space<semaphore_mem>>)
        %dma_wait3A = arith.constant 0 : i32
        %dma_wait3A_33 = tpu.memref_slice %arg7[%multiple_of3A, %dma_wait3A] : memref<10000x128xf32, #tpu.memory_space<hbm>> -> memref<1000x128xf32, #tpu.memory_space<hbm>>
        %dma_wait3A_34 = arith.constant 0 : i32
        %dma_wait3A_35 = tpu.memref_slice %arg8[%multiple_of3A, %dma_wait3A_34] : memref<10000x128xf32, #tpu.memory_space<vmem_shared>> -> memref<1000x128xf32, #tpu.memory_space<vmem_shared>>
        tpu.wait_dma2 semaphore(%arg11 : memref<!tpu.dma_semaphore, #tpu.memory_space<semaphore_mem>>) src(%dma_wait3A_35 : memref<1000x128xf32, #tpu.memory_space<vmem_shared>>) dst(%dma_wait3A_33 : memref<1000x128xf32, #tpu.memory_space<hbm>>)
      } else {
      }
    } else {
    }
    return
  }
}

module attributes {stable_mosaic.version = 14 : i64} {
  func.func @_lin1_body(%arg0: i32, %arg1: memref<2000x128xf32, #tpu.memory_space<vmem>>, %arg2: memref<128x128xf32, #tpu.memory_space<vmem>>, %arg3: memref<1x128xf32, #tpu.memory_space<vmem>>, %arg4: memref<128x128xf32, #tpu.memory_space<vmem>>, %arg5: memref<1x128xf32, #tpu.memory_space<vmem>>, %arg6: memref<128x128xf32, #tpu.memory_space<vmem>>, %arg7: memref<1x128xf32, #tpu.memory_space<vmem>>, %arg8: memref<2000x128xf32, #tpu.memory_space<vmem>>, %arg9: memref<2000x128xf32, #tpu.memory_space<vmem>>, %arg10: memref<2000x128xf32, #tpu.memory_space<vmem>>) attributes {dimension_semantics = [#tpu.dimension_semantics<arbitrary>], iteration_bounds = array<i64: 5>, scalar_prefetch = 0 : i64, scratch_operands = 0 : i64, tpu.core_type = #tpu.core_type<tc>, window_params = [{transform_indices = @transform_0, window_bounds = array<i64: 2000, 128>}, {pipeline_mode = #tpu.pipeline_mode<synchronous>, transform_indices = @transform_1, window_bounds = array<i64: 128, 128>}, {pipeline_mode = #tpu.pipeline_mode<synchronous>, transform_indices = @transform_2, window_bounds = array<i64: 1, 128>}, {pipeline_mode = #tpu.pipeline_mode<synchronous>, transform_indices = @transform_3, window_bounds = array<i64: 128, 128>}, {pipeline_mode = #tpu.pipeline_mode<synchronous>, transform_indices = @transform_4, window_bounds = array<i64: 1, 128>}, {pipeline_mode = #tpu.pipeline_mode<synchronous>, transform_indices = @transform_5, window_bounds = array<i64: 128, 128>}, {pipeline_mode = #tpu.pipeline_mode<synchronous>, transform_indices = @transform_6, window_bounds = array<i64: 1, 128>}, {transform_indices = @transform_7, window_bounds = array<i64: 2000, 128>}, {transform_indices = @transform_8, window_bounds = array<i64: 2000, 128>}, {transform_indices = @transform_9, window_bounds = array<i64: 2000, 128>}]} {
    %get3A = arith.constant 0 : index
    %get3A_0 = arith.constant 0 : index
    %get3A_1 = vector.load %arg1[%get3A, %get3A_0] : memref<2000x128xf32, #tpu.memory_space<vmem>>, vector<2000x128xf32>
    %get3A_2 = arith.constant 0 : index
    %get3A_3 = arith.constant 0 : index
    %get3A_4 = vector.load %arg2[%get3A_2, %get3A_3] : memref<128x128xf32, #tpu.memory_space<vmem>>, vector<128x128xf32>
    %dot_general3A = arith.constant dense<0.000000e+00> : vector<2000x128xf32>
    %dot_general3A_5 = tpu.matmul %get3A_1, %get3A_4, %dot_general3A {dimension_numbers = #tpu.dot_dimension_numbers<[1], [0], [0], [1], [0, 0, 1, 1], [], []>, transpose_lhs_hint = false} : vector<2000x128xf32>, vector<128x128xf32>, vector<2000x128xf32> -> vector<2000x128xf32>
    %get3A_6 = arith.constant 0 : index
    %get3A_7 = arith.constant 0 : index
    %get3A_8 = vector.load %arg3[%get3A_6, %get3A_7] : memref<1x128xf32, #tpu.memory_space<vmem>>, vector<1x128xf32>
    %add3A = vector.broadcast %get3A_8 : vector<1x128xf32> to vector<2000x128xf32>
    %add3A_9 = arith.addf %dot_general3A_5, %add3A : vector<2000x128xf32>
    %swap3A = arith.constant 0 : index
    %swap3A_10 = arith.constant 0 : index
    %swap3A_11 = vector.load %arg8[%swap3A, %swap3A_10] : memref<2000x128xf32, #tpu.memory_space<vmem>>, vector<2000x128xf32>
    tpu.vector_store %arg8[%swap3A, %swap3A_10], %add3A_9 {strides = array<i32>} : memref<2000x128xf32, #tpu.memory_space<vmem>>, vector<2000x128xf32>,
    %get3A_12 = arith.constant 0 : index
    %get3A_13 = arith.constant 0 : index
    %get3A_14 = vector.load %arg4[%get3A_12, %get3A_13] : memref<128x128xf32, #tpu.memory_space<vmem>>, vector<128x128xf32>
    %dot_general3A_15 = arith.constant dense<0.000000e+00> : vector<2000x128xf32>
    %dot_general3A_16 = tpu.matmul %get3A_1, %get3A_14, %dot_general3A_15 {dimension_numbers = #tpu.dot_dimension_numbers<[1], [0], [0], [1], [0, 0, 1, 1], [], []>, transpose_lhs_hint = false} : vector<2000x128xf32>, vector<128x128xf32>, vector<2000x128xf32> -> vector<2000x128xf32>
    %get3A_17 = arith.constant 0 : index
    %get3A_18 = arith.constant 0 : index
    %get3A_19 = vector.load %arg5[%get3A_17, %get3A_18] : memref<1x128xf32, #tpu.memory_space<vmem>>, vector<1x128xf32>
    %add3A_20 = vector.broadcast %get3A_19 : vector<1x128xf32> to vector<2000x128xf32>
    %add3A_21 = arith.addf %dot_general3A_16, %add3A_20 : vector<2000x128xf32>
    %swap3A_22 = arith.constant 0 : index
    %swap3A_23 = arith.constant 0 : index
    %swap3A_24 = vector.load %arg9[%swap3A_22, %swap3A_23] : memref<2000x128xf32, #tpu.memory_space<vmem>>, vector<2000x128xf32>
    tpu.vector_store %arg9[%swap3A_22, %swap3A_23], %add3A_21 {strides = array<i32>} : memref<2000x128xf32, #tpu.memory_space<vmem>>, vector<2000x128xf32>,
    %get3A_25 = arith.constant 0 : index
    %get3A_26 = arith.constant 0 : index
    %get3A_27 = vector.load %arg6[%get3A_25, %get3A_26] : memref<128x128xf32, #tpu.memory_space<vmem>>, vector<128x128xf32>
    %dot_general3A_28 = arith.constant dense<0.000000e+00> : vector<2000x128xf32>
    %dot_general3A_29 = tpu.matmul %get3A_1, %get3A_27, %dot_general3A_28 {dimension_numbers = #tpu.dot_dimension_numbers<[1], [0], [0], [1], [0, 0, 1, 1], [], []>, transpose_lhs_hint = false} : vector<2000x128xf32>, vector<128x128xf32>, vector<2000x128xf32> -> vector<2000x128xf32>
    %get3A_30 = arith.constant 0 : index
    %get3A_31 = arith.constant 0 : index
    %get3A_32 = vector.load %arg7[%get3A_30, %get3A_31] : memref<1x128xf32, #tpu.memory_space<vmem>>, vector<1x128xf32>
    %add3A_33 = vector.broadcast %get3A_32 : vector<1x128xf32> to vector<2000x128xf32>
    %add3A_34 = arith.addf %dot_general3A_29, %add3A_33 : vector<2000x128xf32>
    %swap3A_35 = arith.constant 0 : index
    %swap3A_36 = arith.constant 0 : index
    %swap3A_37 = vector.load %arg10[%swap3A_35, %swap3A_36] : memref<2000x128xf32, #tpu.memory_space<vmem>>, vector<2000x128xf32>
    tpu.vector_store %arg10[%swap3A_35, %swap3A_36], %add3A_34 {strides = array<i32>} : memref<2000x128xf32, #tpu.memory_space<vmem>>, vector<2000x128xf32>,
    return
  }
  func.func @transform_0(%arg0: i32) -> (i32, i32) {
    %c0_i32 = arith.constant 0 : i32
    %c0_i32_0 = arith.constant 0 : i32
    return %arg0, %c0_i32 : i32, i32
  }
  func.func @transform_1(%arg0: i32) -> (i32, i32) {
    %c0_i32 = arith.constant 0 : i32
    %c0_i32_0 = arith.constant 0 : i32
    %c0_i32_1 = arith.constant 0 : i32
    return %c0_i32, %c0_i32_0 : i32, i32
  }
  func.func @transform_2(%arg0: i32) -> (i32, i32) {
    %c0_i32 = arith.constant 0 : i32
    %c0_i32_0 = arith.constant 0 : i32
    %c0_i32_1 = arith.constant 0 : i32
    return %c0_i32, %c0_i32_0 : i32, i32
  }
  func.func @transform_3(%arg0: i32) -> (i32, i32) {
    %c0_i32 = arith.constant 0 : i32
    %c0_i32_0 = arith.constant 0 : i32
    %c0_i32_1 = arith.constant 0 : i32
    return %c0_i32, %c0_i32_0 : i32, i32
  }
  func.func @transform_4(%arg0: i32) -> (i32, i32) {
    %c0_i32 = arith.constant 0 : i32
    %c0_i32_0 = arith.constant 0 : i32
    %c0_i32_1 = arith.constant 0 : i32
    return %c0_i32, %c0_i32_0 : i32, i32
  }
  func.func @transform_5(%arg0: i32) -> (i32, i32) {
    %c0_i32 = arith.constant 0 : i32
    %c0_i32_0 = arith.constant 0 : i32
    %c0_i32_1 = arith.constant 0 : i32
    return %c0_i32, %c0_i32_0 : i32, i32
  }
  func.func @transform_6(%arg0: i32) -> (i32, i32) {
    %c0_i32 = arith.constant 0 : i32
    %c0_i32_0 = arith.constant 0 : i32
    %c0_i32_1 = arith.constant 0 : i32
    return %c0_i32, %c0_i32_0 : i32, i32
  }
  func.func @transform_7(%arg0: i32) -> (i32, i32) {
    %c0_i32 = arith.constant 0 : i32
    %c0_i32_0 = arith.constant 0 : i32
    return %arg0, %c0_i32 : i32, i32
  }
  func.func @transform_8(%arg0: i32) -> (i32, i32) {
    %c0_i32 = arith.constant 0 : i32
    %c0_i32_0 = arith.constant 0 : i32
    return %arg0, %c0_i32 : i32, i32
  }
  func.func @transform_9(%arg0: i32) -> (i32, i32) {
    %c0_i32 = arith.constant 0 : i32
    %c0_i32_0 = arith.constant 0 : i32
    return %arg0, %c0_i32 : i32, i32
  }
}

module attributes {stable_mosaic.version = 14 : i64} {
  func.func @_edge_body(%arg0: i32, %arg1: memref<2000x128xf32, #tpu.memory_space<vmem>>, %arg2: memref<2000x128xf32, #tpu.memory_space<vmem>>, %arg3: memref<2000x128xf32, #tpu.memory_space<vmem>>, %arg4: memref<128x128xf32, #tpu.memory_space<vmem>>, %arg5: memref<1x128xf32, #tpu.memory_space<vmem>>, %arg6: memref<2000x128xf32, #tpu.memory_space<vmem>>, %arg7: memref<2000x128xf32, #tpu.memory_space<vmem>>) attributes {dimension_semantics = [#tpu.dimension_semantics<arbitrary>], iteration_bounds = array<i64: 160>, scalar_prefetch = 0 : i64, scratch_operands = 0 : i64, tpu.core_type = #tpu.core_type<tc>, window_params = [{transform_indices = @transform_0, window_bounds = array<i64: 2000, 128>}, {transform_indices = @transform_1, window_bounds = array<i64: 2000, 128>}, {transform_indices = @transform_2, window_bounds = array<i64: 2000, 128>}, {pipeline_mode = #tpu.pipeline_mode<synchronous>, transform_indices = @transform_3, window_bounds = array<i64: 128, 128>}, {pipeline_mode = #tpu.pipeline_mode<synchronous>, transform_indices = @transform_4, window_bounds = array<i64: 1, 128>}, {transform_indices = @transform_5, window_bounds = array<i64: 2000, 128>}, {transform_indices = @transform_6, window_bounds = array<i64: 2000, 128>}]} {
    %get3A = arith.constant 0 : index
    %get3A_0 = arith.constant 0 : index
    %get3A_1 = vector.load %arg1[%get3A, %get3A_0] : memref<2000x128xf32, #tpu.memory_space<vmem>>, vector<2000x128xf32>
    %get3A_2 = arith.constant 0 : index
    %get3A_3 = arith.constant 0 : index
    %get3A_4 = vector.load %arg2[%get3A_2, %get3A_3] : memref<2000x128xf32, #tpu.memory_space<vmem>>, vector<2000x128xf32>
    %add3A = arith.addf %get3A_1, %get3A_4 : vector<2000x128xf32>
    %get3A_5 = arith.constant 0 : index
    %get3A_6 = arith.constant 0 : index
    %get3A_7 = vector.load %arg3[%get3A_5, %get3A_6] : memref<2000x128xf32, #tpu.memory_space<vmem>>, vector<2000x128xf32>
    %get3A_8 = arith.constant 0 : index
    %get3A_9 = arith.constant 0 : index
    %get3A_10 = vector.load %arg4[%get3A_8, %get3A_9] : memref<128x128xf32, #tpu.memory_space<vmem>>, vector<128x128xf32>
    %dot_general3A = arith.constant dense<0.000000e+00> : vector<2000x128xf32>
    %dot_general3A_11 = tpu.matmul %get3A_7, %get3A_10, %dot_general3A {dimension_numbers = #tpu.dot_dimension_numbers<[1], [0], [0], [1], [0, 0, 1, 1], [], []>, transpose_lhs_hint = false} : vector<2000x128xf32>, vector<128x128xf32>, vector<2000x128xf32> -> vector<2000x128xf32>
    %add3A_12 = arith.addf %add3A, %dot_general3A_11 : vector<2000x128xf32>
    %ge3A = arith.constant 0.000000e+00 : f32
    %ge3A_13 = vector.broadcast %ge3A : f32 to vector<2000x128xf32>
    %ge3A_14 = arith.cmpf oge, %add3A_12, %ge3A_13 : vector<2000x128xf32>
    %mul3A = arith.constant 2.000000e-01 : f32
    %mul3A_15 = vector.broadcast %mul3A : f32 to vector<2000x128xf32>
    %mul3A_16 = arith.mulf %mul3A_15, %add3A_12 : vector<2000x128xf32>
    %select_n3A = arith.select %ge3A_14, %add3A_12, %mul3A_16 : vector<2000x128xi1>, vector<2000x128xf32>
    %get3A_17 = arith.constant 0 : index
    %get3A_18 = arith.constant 0 : index
    %get3A_19 = vector.load %arg5[%get3A_17, %get3A_18] : memref<1x128xf32, #tpu.memory_space<vmem>>, vector<1x128xf32>
    %mul3A_20 = vector.broadcast %get3A_19 : vector<1x128xf32> to vector<2000x128xf32>
    %mul3A_21 = arith.mulf %select_n3A, %mul3A_20 : vector<2000x128xf32>
    %reduce_sum3A = arith.constant dense<0.000000e+00> : vector<2000xf32>
    %reduce_sum3A_22 = vector.multi_reduction <add>, %mul3A_21, %reduce_sum3A [1] : vector<2000x128xf32> to vector<2000xf32>
    %exp3A = math.exp %reduce_sum3A_22 : vector<2000xf32>
    %broadcast_in_dim3A = vector.shape_cast %exp3A : vector<2000xf32> to vector<2000x1xf32>
    %mul3A_23 = vector.broadcast %broadcast_in_dim3A : vector<2000x1xf32> to vector<2000x128xf32>
    %mul3A_24 = arith.mulf %mul3A_23, %get3A_1 : vector<2000x128xf32>
    %swap3A = arith.constant 0 : index
    %swap3A_25 = arith.constant 0 : index
    %swap3A_26 = vector.load %arg6[%swap3A, %swap3A_25] : memref<2000x128xf32, #tpu.memory_space<vmem>>, vector<2000x128xf32>
    tpu.vector_store %arg6[%swap3A, %swap3A_25], %mul3A_24 {strides = array<i32>} : memref<2000x128xf32, #tpu.memory_space<vmem>>, vector<2000x128xf32>,
    %iota3A = tpu.iota {dimensions = array<i32: 1>} : vector<2000x128xi32>
    %eq3A = arith.constant 0 : i32
    %eq3A_27 = vector.broadcast %eq3A : i32 to vector<2000x128xi32>
    %eq3A_28 = arith.cmpi eq, %iota3A, %eq3A_27 : vector<2000x128xi32>
    %broadcast_in_dim3A_29 = vector.shape_cast %exp3A : vector<2000xf32> to vector<2000x1xf32>
    %jit3A = arith.constant 0.000000e+00 : f32
    %broadcast_in_dim3A_30 = vector.shape_cast %broadcast_in_dim3A_29 : vector<2000x1xf32> to vector<2000x1xf32>
    %broadcast_in_dim3A_31 = vector.broadcast %broadcast_in_dim3A_30 : vector<2000x1xf32> to vector<2000x128xf32>
    %broadcast_in_dim3A_32 = vector.broadcast %jit3A : f32 to vector<2000x128xf32>
    %select_n3A_33 = arith.select %eq3A_28, %broadcast_in_dim3A_31, %broadcast_in_dim3A_32 : vector<2000x128xi1>, vector<2000x128xf32>
    %swap3A_34 = arith.constant 0 : index
    %swap3A_35 = arith.constant 0 : index
    %swap3A_36 = vector.load %arg7[%swap3A_34, %swap3A_35] : memref<2000x128xf32, #tpu.memory_space<vmem>>, vector<2000x128xf32>
    tpu.vector_store %arg7[%swap3A_34, %swap3A_35], %select_n3A_33 {strides = array<i32>} : memref<2000x128xf32, #tpu.memory_space<vmem>>, vector<2000x128xf32>,
    return
  }
  func.func @transform_0(%arg0: i32) -> (i32, i32) {
    %c0_i32 = arith.constant 0 : i32
    %c0_i32_0 = arith.constant 0 : i32
    return %arg0, %c0_i32 : i32, i32
  }
  func.func @transform_1(%arg0: i32) -> (i32, i32) {
    %c0_i32 = arith.constant 0 : i32
    %c0_i32_0 = arith.constant 0 : i32
    return %arg0, %c0_i32 : i32, i32
  }
  func.func @transform_2(%arg0: i32) -> (i32, i32) {
    %c0_i32 = arith.constant 0 : i32
    %c0_i32_0 = arith.constant 0 : i32
    return %arg0, %c0_i32 : i32, i32
  }
  func.func @transform_3(%arg0: i32) -> (i32, i32) {
    %c0_i32 = arith.constant 0 : i32
    %c0_i32_0 = arith.constant 0 : i32
    %c0_i32_1 = arith.constant 0 : i32
    return %c0_i32, %c0_i32_0 : i32, i32
  }
  func.func @transform_4(%arg0: i32) -> (i32, i32) {
    %c0_i32 = arith.constant 0 : i32
    %c0_i32_0 = arith.constant 0 : i32
    %c0_i32_1 = arith.constant 0 : i32
    return %c0_i32, %c0_i32_0 : i32, i32
  }
  func.func @transform_5(%arg0: i32) -> (i32, i32) {
    %c0_i32 = arith.constant 0 : i32
    %c0_i32_0 = arith.constant 0 : i32
    return %arg0, %c0_i32 : i32, i32
  }
  func.func @transform_6(%arg0: i32) -> (i32, i32) {
    %c0_i32 = arith.constant 0 : i32
    %c0_i32_0 = arith.constant 0 : i32
    return %arg0, %c0_i32 : i32, i32
  }
}

module attributes {stable_mosaic.version = 14 : i64} {
  func.func @_epi1_body(%arg0: i32, %arg1: memref<2000x128xf32, #tpu.memory_space<vmem>>, %arg2: memref<2000x128xf32, #tpu.memory_space<vmem>>, %arg3: memref<1x128xf32, #tpu.memory_space<vmem>>, %arg4: memref<2000x128xf32, #tpu.memory_space<vmem>>) attributes {dimension_semantics = [#tpu.dimension_semantics<arbitrary>], iteration_bounds = array<i64: 5>, scalar_prefetch = 0 : i64, scratch_operands = 0 : i64, tpu.core_type = #tpu.core_type<tc>, window_params = [{transform_indices = @transform_0, window_bounds = array<i64: 2000, 128>}, {transform_indices = @transform_1, window_bounds = array<i64: 2000, 128>}, {pipeline_mode = #tpu.pipeline_mode<synchronous>, transform_indices = @transform_2, window_bounds = array<i64: 1, 128>}, {transform_indices = @transform_3, window_bounds = array<i64: 2000, 128>}]} {
    %get3A = arith.constant 0 : index
    %get3A_0 = arith.constant 0 : index
    %get3A_1 = vector.load %arg2[%get3A, %get3A_0] : memref<2000x128xf32, #tpu.memory_space<vmem>>, vector<2000x128xf32>
    %reduce_sum3A = arith.constant dense<0.000000e+00> : vector<2000xf32>
    %reduce_sum3A_2 = vector.multi_reduction <add>, %get3A_1, %reduce_sum3A [1] : vector<2000x128xf32> to vector<2000xf32>
    %get3A_3 = arith.constant 0 : index
    %get3A_4 = arith.constant 0 : index
    %get3A_5 = vector.load %arg1[%get3A_3, %get3A_4] : memref<2000x128xf32, #tpu.memory_space<vmem>>, vector<2000x128xf32>
    %broadcast_in_dim3A = vector.shape_cast %reduce_sum3A_2 : vector<2000xf32> to vector<2000x1xf32>
    %add3A = arith.constant 1.000000e-16 : f32
    %add3A_6 = vector.broadcast %add3A : f32 to vector<2000x1xf32>
    %add3A_7 = arith.addf %broadcast_in_dim3A, %add3A_6 : vector<2000x1xf32>
    %div3A = vector.broadcast %add3A_7 : vector<2000x1xf32> to vector<2000x128xf32>
    %div3A_8 = arith.divf %get3A_5, %div3A : vector<2000x128xf32>
    %get3A_9 = arith.constant 0 : index
    %get3A_10 = arith.constant 0 : index
    %get3A_11 = vector.load %arg3[%get3A_9, %get3A_10] : memref<1x128xf32, #tpu.memory_space<vmem>>, vector<1x128xf32>
    %add3A_12 = vector.broadcast %get3A_11 : vector<1x128xf32> to vector<2000x128xf32>
    %add3A_13 = arith.addf %div3A_8, %add3A_12 : vector<2000x128xf32>
    %max3A = arith.constant 0.000000e+00 : f32
    %max3A_14 = vector.broadcast %max3A : f32 to vector<2000x128xf32>
    %max3A_15 = arith.maximumf %add3A_13, %max3A_14 : vector<2000x128xf32>
    %reduce_sum3A_16 = arith.constant dense<0.000000e+00> : vector<2000xf32>
    %reduce_sum3A_17 = vector.multi_reduction <add>, %max3A_15, %reduce_sum3A_16 [1] : vector<2000x128xf32> to vector<2000xf32>
    %broadcast_in_dim3A_18 = vector.shape_cast %reduce_sum3A_17 : vector<2000xf32> to vector<2000x1xf32>
    %div3A_19 = arith.constant 1.280000e+02 : f32
    %div3A_20 = vector.broadcast %div3A_19 : f32 to vector<2000x1xf32>
    %div3A_21 = arith.divf %broadcast_in_dim3A_18, %div3A_20 : vector<2000x1xf32>
    %jit3A = arith.constant 0 : i32
    %reduce_sum3A_22 = arith.constant dense<0.000000e+00> : vector<2000xf32>
    %reduce_sum3A_23 = vector.multi_reduction <add>, %max3A_15, %reduce_sum3A_22 [1] : vector<2000x128xf32> to vector<2000xf32>
    %broadcast_in_dim3A_24 = vector.shape_cast %reduce_sum3A_23 : vector<2000xf32> to vector<2000x1xf32>
    %div3A_25 = arith.constant 1.280000e+02 : f32
    %div3A_26 = vector.broadcast %div3A_25 : f32 to vector<2000x1xf32>
    %div3A_27 = arith.divf %broadcast_in_dim3A_24, %div3A_26 : vector<2000x1xf32>
    %sub3A = vector.broadcast %div3A_27 : vector<2000x1xf32> to vector<2000x128xf32>
    %sub3A_28 = arith.subf %max3A_15, %sub3A : vector<2000x128xf32>
    %square3A = arith.mulf %sub3A_28, %sub3A_28 : vector<2000x128xf32>
    %convert_element_type3A = arith.sitofp %jit3A : i32 to f32
    %sub3A_29 = arith.constant 1.280000e+02 : f32
    %sub3A_30 = arith.subf %sub3A_29, %convert_element_type3A : f32
    %reduce_sum3A_31 = arith.constant dense<0.000000e+00> : vector<2000xf32>
    %reduce_sum3A_32 = vector.multi_reduction <add>, %square3A, %reduce_sum3A_31 [1] : vector<2000x128xf32> to vector<2000xf32>
    %broadcast_in_dim3A_33 = vector.shape_cast %reduce_sum3A_32 : vector<2000xf32> to vector<2000x1xf32>
    %div3A_34 = vector.broadcast %sub3A_30 : f32 to vector<2000x1xf32>
    %div3A_35 = arith.divf %broadcast_in_dim3A_33, %div3A_34 : vector<2000x1xf32>
    %gt3A = arith.constant 0.000000e+00 : f32
    %gt3A_36 = arith.cmpf ogt, %sub3A_30, %gt3A : f32
    %jit3A_37 = arith.constant 0x7FC00000 : f32
    %broadcast_in_dim3A_38 = vector.broadcast %jit3A_37 : f32 to vector<2000x1xf32>
    %select_n3A = arith.select %gt3A_36, %div3A_35, %broadcast_in_dim3A_38 : vector<2000x1xf32>
    %sub3A_39 = vector.broadcast %div3A_21 : vector<2000x1xf32> to vector<2000x128xf32>
    %sub3A_40 = arith.subf %max3A_15, %sub3A_39 : vector<2000x128xf32>
    %add3A_41 = arith.constant 9.99999974E-6 : f32
    %add3A_42 = vector.broadcast %add3A_41 : f32 to vector<2000x1xf32>
    %add3A_43 = arith.addf %select_n3A, %add3A_42 : vector<2000x1xf32>
    %sqrt3A = math.sqrt %add3A_43 : vector<2000x1xf32>
    %div3A_44 = vector.broadcast %sqrt3A : vector<2000x1xf32> to vector<2000x128xf32>
    %div3A_45 = arith.divf %sub3A_40, %div3A_44 : vector<2000x128xf32>
    %swap3A = arith.constant 0 : index
    %swap3A_46 = arith.constant 0 : index
    %swap3A_47 = vector.load %arg4[%swap3A, %swap3A_46] : memref<2000x128xf32, #tpu.memory_space<vmem>>, vector<2000x128xf32>
    tpu.vector_store %arg4[%swap3A, %swap3A_46], %div3A_45 {strides = array<i32>} : memref<2000x128xf32, #tpu.memory_space<vmem>>, vector<2000x128xf32>,
    return
  }
  func.func @transform_0(%arg0: i32) -> (i32, i32) {
    %c0_i32 = arith.constant 0 : i32
    %c0_i32_0 = arith.constant 0 : i32
    return %arg0, %c0_i32 : i32, i32
  }
  func.func @transform_1(%arg0: i32) -> (i32, i32) {
    %c0_i32 = arith.constant 0 : i32
    %c0_i32_0 = arith.constant 0 : i32
    return %arg0, %c0_i32 : i32, i32
  }
  func.func @transform_2(%arg0: i32) -> (i32, i32) {
    %c0_i32 = arith.constant 0 : i32
    %c0_i32_0 = arith.constant 0 : i32
    %c0_i32_1 = arith.constant 0 : i32
    return %c0_i32, %c0_i32_0 : i32, i32
  }
  func.func @transform_3(%arg0: i32) -> (i32, i32) {
    %c0_i32 = arith.constant 0 : i32
    %c0_i32_0 = arith.constant 0 : i32
    return %arg0, %c0_i32 : i32, i32
  }
}

module attributes {stable_mosaic.version = 14 : i64} {
  func.func @_lin2_body(%arg0: i32, %arg1: memref<2000x128xf32, #tpu.memory_space<vmem>>, %arg2: memref<128x128xf32, #tpu.memory_space<vmem>>, %arg3: memref<1x128xf32, #tpu.memory_space<vmem>>, %arg4: memref<128x128xf32, #tpu.memory_space<vmem>>, %arg5: memref<1x128xf32, #tpu.memory_space<vmem>>, %arg6: memref<2000x128xf32, #tpu.memory_space<vmem>>, %arg7: memref<2000x128xf32, #tpu.memory_space<vmem>>) attributes {dimension_semantics = [#tpu.dimension_semantics<arbitrary>], iteration_bounds = array<i64: 5>, scalar_prefetch = 0 : i64, scratch_operands = 0 : i64, tpu.core_type = #tpu.core_type<tc>, window_params = [{transform_indices = @transform_0, window_bounds = array<i64: 2000, 128>}, {pipeline_mode = #tpu.pipeline_mode<synchronous>, transform_indices = @transform_1, window_bounds = array<i64: 128, 128>}, {pipeline_mode = #tpu.pipeline_mode<synchronous>, transform_indices = @transform_2, window_bounds = array<i64: 1, 128>}, {pipeline_mode = #tpu.pipeline_mode<synchronous>, transform_indices = @transform_3, window_bounds = array<i64: 128, 128>}, {pipeline_mode = #tpu.pipeline_mode<synchronous>, transform_indices = @transform_4, window_bounds = array<i64: 1, 128>}, {transform_indices = @transform_5, window_bounds = array<i64: 2000, 128>}, {transform_indices = @transform_6, window_bounds = array<i64: 2000, 128>}]} {
    %get3A = arith.constant 0 : index
    %get3A_0 = arith.constant 0 : index
    %get3A_1 = vector.load %arg1[%get3A, %get3A_0] : memref<2000x128xf32, #tpu.memory_space<vmem>>, vector<2000x128xf32>
    %get3A_2 = arith.constant 0 : index
    %get3A_3 = arith.constant 0 : index
    %get3A_4 = vector.load %arg2[%get3A_2, %get3A_3] : memref<128x128xf32, #tpu.memory_space<vmem>>, vector<128x128xf32>
    %dot_general3A = arith.constant dense<0.000000e+00> : vector<2000x128xf32>
    %dot_general3A_5 = tpu.matmul %get3A_1, %get3A_4, %dot_general3A {dimension_numbers = #tpu.dot_dimension_numbers<[1], [0], [0], [1], [0, 0, 1, 1], [], []>, transpose_lhs_hint = false} : vector<2000x128xf32>, vector<128x128xf32>, vector<2000x128xf32> -> vector<2000x128xf32>
    %get3A_6 = arith.constant 0 : index
    %get3A_7 = arith.constant 0 : index
    %get3A_8 = vector.load %arg3[%get3A_6, %get3A_7] : memref<1x128xf32, #tpu.memory_space<vmem>>, vector<1x128xf32>
    %add3A = vector.broadcast %get3A_8 : vector<1x128xf32> to vector<2000x128xf32>
    %add3A_9 = arith.addf %dot_general3A_5, %add3A : vector<2000x128xf32>
    %swap3A = arith.constant 0 : index
    %swap3A_10 = arith.constant 0 : index
    %swap3A_11 = vector.load %arg6[%swap3A, %swap3A_10] : memref<2000x128xf32, #tpu.memory_space<vmem>>, vector<2000x128xf32>
    tpu.vector_store %arg6[%swap3A, %swap3A_10], %add3A_9 {strides = array<i32>} : memref<2000x128xf32, #tpu.memory_space<vmem>>, vector<2000x128xf32>,
    %get3A_12 = arith.constant 0 : index
    %get3A_13 = arith.constant 0 : index
    %get3A_14 = vector.load %arg4[%get3A_12, %get3A_13] : memref<128x128xf32, #tpu.memory_space<vmem>>, vector<128x128xf32>
    %dot_general3A_15 = arith.constant dense<0.000000e+00> : vector<2000x128xf32>
    %dot_general3A_16 = tpu.matmul %get3A_1, %get3A_14, %dot_general3A_15 {dimension_numbers = #tpu.dot_dimension_numbers<[1], [0], [0], [1], [0, 0, 1, 1], [], []>, transpose_lhs_hint = false} : vector<2000x128xf32>, vector<128x128xf32>, vector<2000x128xf32> -> vector<2000x128xf32>
    %get3A_17 = arith.constant 0 : index
    %get3A_18 = arith.constant 0 : index
    %get3A_19 = vector.load %arg5[%get3A_17, %get3A_18] : memref<1x128xf32, #tpu.memory_space<vmem>>, vector<1x128xf32>
    %add3A_20 = vector.broadcast %get3A_19 : vector<1x128xf32> to vector<2000x128xf32>
    %add3A_21 = arith.addf %dot_general3A_16, %add3A_20 : vector<2000x128xf32>
    %swap3A_22 = arith.constant 0 : index
    %swap3A_23 = arith.constant 0 : index
    %swap3A_24 = vector.load %arg7[%swap3A_22, %swap3A_23] : memref<2000x128xf32, #tpu.memory_space<vmem>>, vector<2000x128xf32>
    tpu.vector_store %arg7[%swap3A_22, %swap3A_23], %add3A_21 {strides = array<i32>} : memref<2000x128xf32, #tpu.memory_space<vmem>>, vector<2000x128xf32>,
    return
  }
  func.func @transform_0(%arg0: i32) -> (i32, i32) {
    %c0_i32 = arith.constant 0 : i32
    %c0_i32_0 = arith.constant 0 : i32
    return %arg0, %c0_i32 : i32, i32
  }
  func.func @transform_1(%arg0: i32) -> (i32, i32) {
    %c0_i32 = arith.constant 0 : i32
    %c0_i32_0 = arith.constant 0 : i32
    %c0_i32_1 = arith.constant 0 : i32
    return %c0_i32, %c0_i32_0 : i32, i32
  }
  func.func @transform_2(%arg0: i32) -> (i32, i32) {
    %c0_i32 = arith.constant 0 : i32
    %c0_i32_0 = arith.constant 0 : i32
    %c0_i32_1 = arith.constant 0 : i32
    return %c0_i32, %c0_i32_0 : i32, i32
  }
  func.func @transform_3(%arg0: i32) -> (i32, i32) {
    %c0_i32 = arith.constant 0 : i32
    %c0_i32_0 = arith.constant 0 : i32
    %c0_i32_1 = arith.constant 0 : i32
    return %c0_i32, %c0_i32_0 : i32, i32
  }
  func.func @transform_4(%arg0: i32) -> (i32, i32) {
    %c0_i32 = arith.constant 0 : i32
    %c0_i32_0 = arith.constant 0 : i32
    %c0_i32_1 = arith.constant 0 : i32
    return %c0_i32, %c0_i32_0 : i32, i32
  }
  func.func @transform_5(%arg0: i32) -> (i32, i32) {
    %c0_i32 = arith.constant 0 : i32
    %c0_i32_0 = arith.constant 0 : i32
    return %arg0, %c0_i32 : i32, i32
  }
  func.func @transform_6(%arg0: i32) -> (i32, i32) {
    %c0_i32 = arith.constant 0 : i32
    %c0_i32_0 = arith.constant 0 : i32
    return %arg0, %c0_i32 : i32, i32
  }
}

module attributes {stable_mosaic.version = 14 : i64} {
  func.func @_epi2_body(%arg0: i32, %arg1: memref<2000x128xf32, #tpu.memory_space<vmem>>, %arg2: memref<2000x128xf32, #tpu.memory_space<vmem>>, %arg3: memref<2000x128xf32, #tpu.memory_space<vmem>>, %arg4: memref<1x128xf32, #tpu.memory_space<vmem>>, %arg5: memref<2000x128xf32, #tpu.memory_space<vmem>>) attributes {dimension_semantics = [#tpu.dimension_semantics<arbitrary>], iteration_bounds = array<i64: 5>, scalar_prefetch = 0 : i64, scratch_operands = 0 : i64, tpu.core_type = #tpu.core_type<tc>, window_params = [{transform_indices = @transform_0, window_bounds = array<i64: 2000, 128>}, {transform_indices = @transform_1, window_bounds = array<i64: 2000, 128>}, {transform_indices = @transform_2, window_bounds = array<i64: 2000, 128>}, {pipeline_mode = #tpu.pipeline_mode<synchronous>, transform_indices = @transform_3, window_bounds = array<i64: 1, 128>}, {transform_indices = @transform_4, window_bounds = array<i64: 2000, 128>}]} {
    %get3A = arith.constant 0 : index
    %get3A_0 = arith.constant 0 : index
    %get3A_1 = vector.load %arg2[%get3A, %get3A_0] : memref<2000x128xf32, #tpu.memory_space<vmem>>, vector<2000x128xf32>
    %reduce_sum3A = arith.constant dense<0.000000e+00> : vector<2000xf32>
    %reduce_sum3A_2 = vector.multi_reduction <add>, %get3A_1, %reduce_sum3A [1] : vector<2000x128xf32> to vector<2000xf32>
    %get3A_3 = arith.constant 0 : index
    %get3A_4 = arith.constant 0 : index
    %get3A_5 = vector.load %arg1[%get3A_3, %get3A_4] : memref<2000x128xf32, #tpu.memory_space<vmem>>, vector<2000x128xf32>
    %broadcast_in_dim3A = vector.shape_cast %reduce_sum3A_2 : vector<2000xf32> to vector<2000x1xf32>
    %add3A = arith.constant 1.000000e-16 : f32
    %add3A_6 = vector.broadcast %add3A : f32 to vector<2000x1xf32>
    %add3A_7 = arith.addf %broadcast_in_dim3A, %add3A_6 : vector<2000x1xf32>
    %div3A = vector.broadcast %add3A_7 : vector<2000x1xf32> to vector<2000x128xf32>
    %div3A_8 = arith.divf %get3A_5, %div3A : vector<2000x128xf32>
    %get3A_9 = arith.constant 0 : index
    %get3A_10 = arith.constant 0 : index
    %get3A_11 = vector.load %arg4[%get3A_9, %get3A_10] : memref<1x128xf32, #tpu.memory_space<vmem>>, vector<1x128xf32>
    %add3A_12 = vector.broadcast %get3A_11 : vector<1x128xf32> to vector<2000x128xf32>
    %add3A_13 = arith.addf %div3A_8, %add3A_12 : vector<2000x128xf32>
    %get3A_14 = arith.constant 0 : index
    %get3A_15 = arith.constant 0 : index
    %get3A_16 = vector.load %arg3[%get3A_14, %get3A_15] : memref<2000x128xf32, #tpu.memory_space<vmem>>, vector<2000x128xf32>
    %add3A_17 = arith.addf %add3A_13, %get3A_16 : vector<2000x128xf32>
    %max3A = arith.constant 0.000000e+00 : f32
    %max3A_18 = vector.broadcast %max3A : f32 to vector<2000x128xf32>
    %max3A_19 = arith.maximumf %add3A_17, %max3A_18 : vector<2000x128xf32>
    %reduce_sum3A_20 = arith.constant dense<0.000000e+00> : vector<2000xf32>
    %reduce_sum3A_21 = vector.multi_reduction <add>, %max3A_19, %reduce_sum3A_20 [1] : vector<2000x128xf32> to vector<2000xf32>
    %broadcast_in_dim3A_22 = vector.shape_cast %reduce_sum3A_21 : vector<2000xf32> to vector<2000x1xf32>
    %div3A_23 = arith.constant 1.280000e+02 : f32
    %div3A_24 = vector.broadcast %div3A_23 : f32 to vector<2000x1xf32>
    %div3A_25 = arith.divf %broadcast_in_dim3A_22, %div3A_24 : vector<2000x1xf32>
    %jit3A = arith.constant 0 : i32
    %reduce_sum3A_26 = arith.constant dense<0.000000e+00> : vector<2000xf32>
    %reduce_sum3A_27 = vector.multi_reduction <add>, %max3A_19, %reduce_sum3A_26 [1] : vector<2000x128xf32> to vector<2000xf32>
    %broadcast_in_dim3A_28 = vector.shape_cast %reduce_sum3A_27 : vector<2000xf32> to vector<2000x1xf32>
    %div3A_29 = arith.constant 1.280000e+02 : f32
    %div3A_30 = vector.broadcast %div3A_29 : f32 to vector<2000x1xf32>
    %div3A_31 = arith.divf %broadcast_in_dim3A_28, %div3A_30 : vector<2000x1xf32>
    %sub3A = vector.broadcast %div3A_31 : vector<2000x1xf32> to vector<2000x128xf32>
    %sub3A_32 = arith.subf %max3A_19, %sub3A : vector<2000x128xf32>
    %square3A = arith.mulf %sub3A_32, %sub3A_32 : vector<2000x128xf32>
    %convert_element_type3A = arith.sitofp %jit3A : i32 to f32
    %sub3A_33 = arith.constant 1.280000e+02 : f32
    %sub3A_34 = arith.subf %sub3A_33, %convert_element_type3A : f32
    %reduce_sum3A_35 = arith.constant dense<0.000000e+00> : vector<2000xf32>
    %reduce_sum3A_36 = vector.multi_reduction <add>, %square3A, %reduce_sum3A_35 [1] : vector<2000x128xf32> to vector<2000xf32>
    %broadcast_in_dim3A_37 = vector.shape_cast %reduce_sum3A_36 : vector<2000xf32> to vector<2000x1xf32>
    %div3A_38 = vector.broadcast %sub3A_34 : f32 to vector<2000x1xf32>
    %div3A_39 = arith.divf %broadcast_in_dim3A_37, %div3A_38 : vector<2000x1xf32>
    %gt3A = arith.constant 0.000000e+00 : f32
    %gt3A_40 = arith.cmpf ogt, %sub3A_34, %gt3A : f32
    %jit3A_41 = arith.constant 0x7FC00000 : f32
    %broadcast_in_dim3A_42 = vector.broadcast %jit3A_41 : f32 to vector<2000x1xf32>
    %select_n3A = arith.select %gt3A_40, %div3A_39, %broadcast_in_dim3A_42 : vector<2000x1xf32>
    %sub3A_43 = vector.broadcast %div3A_25 : vector<2000x1xf32> to vector<2000x128xf32>
    %sub3A_44 = arith.subf %max3A_19, %sub3A_43 : vector<2000x128xf32>
    %add3A_45 = arith.constant 9.99999974E-6 : f32
    %add3A_46 = vector.broadcast %add3A_45 : f32 to vector<2000x1xf32>
    %add3A_47 = arith.addf %select_n3A, %add3A_46 : vector<2000x1xf32>
    %sqrt3A = math.sqrt %add3A_47 : vector<2000x1xf32>
    %div3A_48 = vector.broadcast %sqrt3A : vector<2000x1xf32> to vector<2000x128xf32>
    %div3A_49 = arith.divf %sub3A_44, %div3A_48 : vector<2000x128xf32>
    %swap3A = arith.constant 0 : index
    %swap3A_50 = arith.constant 0 : index
    %swap3A_51 = vector.load %arg5[%swap3A, %swap3A_50] : memref<2000x128xf32, #tpu.memory_space<vmem>>, vector<2000x128xf32>
    tpu.vector_store %arg5[%swap3A, %swap3A_50], %div3A_49 {strides = array<i32>} : memref<2000x128xf32, #tpu.memory_space<vmem>>, vector<2000x128xf32>,
    return
  }
  func.func @transform_0(%arg0: i32) -> (i32, i32) {
    %c0_i32 = arith.constant 0 : i32
    %c0_i32_0 = arith.constant 0 : i32
    return %arg0, %c0_i32 : i32, i32
  }
  func.func @transform_1(%arg0: i32) -> (i32, i32) {
    %c0_i32 = arith.constant 0 : i32
    %c0_i32_0 = arith.constant 0 : i32
    return %arg0, %c0_i32 : i32, i32
  }
  func.func @transform_2(%arg0: i32) -> (i32, i32) {
    %c0_i32 = arith.constant 0 : i32
    %c0_i32_0 = arith.constant 0 : i32
    return %arg0, %c0_i32 : i32, i32
  }
  func.func @transform_3(%arg0: i32) -> (i32, i32) {
    %c0_i32 = arith.constant 0 : i32
    %c0_i32_0 = arith.constant 0 : i32
    %c0_i32_1 = arith.constant 0 : i32
    return %c0_i32, %c0_i32_0 : i32, i32
  }
  func.func @transform_4(%arg0: i32) -> (i32, i32) {
    %c0_i32 = arith.constant 0 : i32
    %c0_i32_0 = arith.constant 0 : i32
    return %arg0, %c0_i32 : i32, i32
  }
}

</mosaic_0001>

<sc_bundles>
// kernel: kernel.12.cloned.1.call-start
scs
__scs_entry_jumppad:
0x0: {  	(pc) =	sbr.rel $0x88, $3  }
0x1: {  	(tag) =	ssettag $0x0;
	lr =	simm.s32 $0x1  }
0x2: {  	[smem:$0x3F8E] =	sst lr;
	_ =	strace $0xD0000000  }
0x3: {  	_ = 	snop  }
0x4: {  	_ = 	snop  }
0x5: {  	_ = 	snop  }
0x6: {  	_ = 	snop  }
0x7: {  	_ = 	snop  }
__scs_overlays_trampoline_lowered:
0x8: {  	[smem:$0x3F9D] =	sst s0  }
0x9: {  	[smem:$0x3F9E] =	sst s1  }
0xa: {  	[smem:$0x3F9F] =	sst s2  }
0xb: {  	[smem:$0x3FA0] =	sst s3  }
0xc: {  	[smem:$0x3FA1] =	sst s4  }
0xd: {  	[smem:$0x3FA2] =	sst s5  }
0xe: {  	[smem:$0x3FA3] =	sst s6  }
0xf: {  	[smem:$0x3FA4] =	sst s7  }
0x10: {  	[smem:$0x3FA5] =	sst s8  }
0x11: {  	[smem:$0x3FA6] =	sst s9;
	s0 =	simm.s32 @!p0 $0x0  }
0x12: {  	s1 =	sld [smem:$0x3F8C];
	s0 =	simm.s32 @p0 $0x1  }
0x13: {  	[smem:$0x3FA7] =	sst s0;
	s0 =	simm.s32 @!p1 $0x0  }
0x14: {  	s2 =	sld [smem:$0x3F8B];
	s0 =	simm.s32 @p1 $0x1  }
0x15: {  	[smem:$0x3FA8] =	sst s0;
	s0 =	simm.s32 @!p2 $0x0  }
0x16: {  	s3 =	sld [smem:$0x3FDB];
	s0 =	simm.s32 @p2 $0x1  }
0x17: {  	s4 =	simm.s32 $0x1BF5;
	[smem:$0x3FAA] =	sst s0  }
0x18: {  	s0 =	sld [smem:$0x3F8D];
	_ =	swait.ge [sflag:s4], $0x0  }
0x19: {  	s7 =	sld [smem:$0x3F8E]  }
0x1a: {  	s8 =	sadd.s32 $0xFFFFE003, lr  }
0x1b: {  	s9 =	sadd.s32 $0xFFFFFEF7, lr;
	s5 =	simm.s32 $0xFFFFFFFF;
	p2 =	slt.u32 s8, $0xFFFFF086  }
0x1c: {  	p1 =	slt.u32 s9, $0xF7A;
	s5 =	simm.s32 @!p2 $0x0  }
0x1d: {  	s5 =	simm.s32 @p1 $0x1;
	p0 =	seq.s32 s7, s2  }
0x1e: {  	s7 =	smul.u32 @!p0 $0xF7A, s2;
	p2 =	seq.s32 @!p0 s5, $0x0  }
0x1f: {  	s9 =	smul.u32 $0xF7A, s1;
	s8 =	simm.s32 @!p0 $0x1BF5;
	p2 =	por !p2, p0  }
0x20: {  	[sflag:s8] =	ssyncset.s32 @!p0 $0xFFFFF086;
	s6 =	sadd.s32 @!p0 s3, s7;
	s7 =	simm.s32 @!p0 $0x108  }
0x21: {  	s3 =	sadd.s32 s3, s9;
	s6 =	sadd.s32 @!p0 $0x88, s6;
	s7 =	simm.s32 @p2 $0x1082  }
0x22: {  	[simem:s7], [sflag:s8] =	dma.local @!p0 [hbm:s6], $0xF7A  }
0x23: {  	s9 =	sor.u32 $0xD0000000, s2;
	s6 =	simm.s32 $0x108;
	_ =	swait.ge @!p0 [sflag:s8], $0x0  }
0x24: {  	s3 =	sadd.s32 $0x88, s3;
	s6 =	simm.s32 @!p1 $0x1082;
	[sflag:s4] =	ssyncset.s32 $0xFFFFF086  }
0x25: {  	[simem:s6], [sflag:s4] =	dma.local [hbm:s3], $0xF7A  }
0x26: {  	[smem:$0x3F8E] =	sst s1;
	(tag) =	ssettag s2;
	_ =	strace s9  }
0x27: {  	s1 =	sld [smem:$0x3F9E]  }
0x28: {  	s2 =	sld [smem:$0x3F9F]  }
0x29: {  	s4 =	sld [smem:$0x3FA1]  }
0x2a: {  	p0 =	seq.s32 s5, $0x0;
	s5 =	sld [smem:$0x3FA2]  }
0x2b: {  	s6 =	sld [smem:$0x3FA3]  }
0x2c: {  	s7 =	sld [smem:$0x3FA4]  }
0x2d: {  	s3 =	simm.s32 $0x108;
	s8 =	sld [smem:$0x3FA5]  }
0x2e: {  	s3 =	simm.s32 @!p0 $0x1082;
	s9 =	sld [smem:$0x3FA6]  }
0x2f: {  	lr =	sadd.s32 s0, s3;
	s0 =	sld [smem:$0x3F9D]  }
0x30: {  	s3 =	sld [smem:$0x3FA0]  }
0x31: {  	[smem:$0x3FA9] =	sst s10  }
0x32: {  	s10 =	sld [smem:$0x3FA7];
	_ =	sdelay $0x3  }
0x33: {  	p0 =	seq.s32 s10, $0x1;
	s10 =	sld [smem:$0x3FA9];
	_ =	sdelay $0x3  }
0x34: {  	[smem:$0x3FA9] =	sst s10  }
0x35: {  	s10 =	sld [smem:$0x3FA8];
	_ =	sdelay $0x3  }
0x36: {  	p1 =	seq.s32 s10, $0x1;
	s10 =	sld [smem:$0x3FA9];
	_ =	sdelay $0x3  }
0x37: {  	[smem:$0x3FA9] =	sst s10  }
0x38: {  	s10 =	sld [smem:$0x3FAA]  }
0x39: {  	_ = 	snop;
	(pc) =	sbr.ind lr, $3  }
0x3a: {  	_ = 	snop  }
0x3b: {  	_ = 	snop  }
0x3c: {  	p2 =	seq.s32 s10, $0x1;
	s10 =	sld [smem:$0x3FA9]  }
0x3d: {  	_ =	shalt  }
0x3e: {  	_ =	shalt  }
0x3f: {  	_ =	shalt  }
0x40: {  	_ =	shalt  }
0x41: {  	_ =	shalt  }
0x42: {  	_ =	shalt  }
0x43: {  	_ =	shalt  }
0x44: {  	_ =	shalt  }
0x45: {  	_ =	shalt  }
0x46: {  	_ =	shalt  }
0x47: {  	_ =	shalt  }
0x48: {  	_ =	shalt  }
0x49: {  	_ =	shalt  }
0x4a: {  	_ =	shalt  }
0x4b: {  	_ =	shalt  }
0x4c: {  	_ =	shalt  }
0x4d: {  	_ =	shalt  }
0x4e: {  	_ =	shalt  }
0x4f: {  	_ =	shalt  }
0x50: {  	_ =	shalt  }
0x51: {  	_ =	shalt  }
0x52: {  	_ =	shalt  }
0x53: {  	_ =	shalt  }
0x54: {  	_ =	shalt  }
0x55: {  	_ =	shalt  }
0x56: {  	_ =	shalt  }
0x57: {  	_ =	shalt  }
0x58: {  	_ =	shalt  }
0x59: {  	_ =	shalt  }
0x5a: {  	_ =	shalt  }
0x5b: {  	_ =	shalt  }
0x5c: {  	_ =	shalt  }
0x5d: {  	_ =	shalt  }
0x5e: {  	_ =	shalt  }
0x5f: {  	_ =	shalt  }
0x60: {  	_ =	shalt  }
0x61: {  	_ =	shalt  }
0x62: {  	_ =	shalt  }
0x63: {  	_ =	shalt  }
0x64: {  	_ =	shalt  }
0x65: {  	_ =	shalt  }
0x66: {  	_ =	shalt  }
0x67: {  	_ =	shalt  }
0x68: {  	_ =	shalt  }
0x69: {  	_ =	shalt  }
0x6a: {  	_ =	shalt  }
0x6b: {  	_ =	shalt  }
0x6c: {  	_ =	shalt  }
0x6d: {  	_ =	shalt  }
0x6e: {  	_ =	shalt  }
0x6f: {  	_ =	shalt  }
0x70: {  	_ =	shalt  }
0x71: {  	_ =	shalt  }
0x72: {  	_ =	shalt  }
0x73: {  	_ =	shalt  }
0x74: {  	_ =	shalt  }
0x75: {  	_ =	shalt  }
0x76: {  	_ =	shalt  }
0x77: {  	_ =	shalt  }
0x78: {  	_ =	shalt  }
0x79: {  	_ =	shalt  }
0x7a: {  	_ =	shalt  }
0x7b: {  	_ =	shalt  }
0x7c: {  	_ =	shalt  }
0x7d: {  	_ =	shalt  }
0x7e: {  	_ =	shalt  }
0x7f: {  	_ =	shalt  }
0x80: {  	_ =	shalt  }
0x81: {  	_ =	shalt  }
0x82: {  	_ =	shalt  }
0x83: {  	_ =	shalt  }
0x84: {  	_ =	shalt  }
0x85: {  	_ =	shalt  }
0x86: {  	_ =	shalt  }
0x87: {  	_ =	shalt  }
.Lfunc_end0:
.L_simem_size_0:
called_computation_lowered:
.L_overlay_start_0:
0x88: {  	s2 =	sld [smem:$0x3FD9]  }
0x89: {  	s3 =	sld [smem:$0x3FFE];
	_ =	sdelay $0x1  }
0x8a: {  	s1 =	srdreg.scid  }
0x8b: {  	s0 =	sand.u32 $0x1, s1  }
0x8c: {  	s17 =	sshll.u32 s0, $0xA;
	s2 =	sadd.s32 s3, s2  }
0x8d: {  	s2 =	sadd.s32 s2, s17  }
0x8e: {  	[smem:$0x3FB5] =	sst s2  }
0x8f: {  	_ = 	snop  }
0x90: {  	s2 =	sld [smem:$0x3FD0];
	(tm) =	ssettm $0x1  }
0x91: {  	s18 =	sld [smem:$0x3FFB];
	_ =	sdelay $0x3  }
0x92: {  	_ =	strace s18  }
0x93: {  	s3 =	sld [smem:$0x3FFC];
	_ =	sdelay $0x3  }
0x94: {  	_ =	strace s3  }
0x95: {  	s3 =	sld [smem:$0x3FFD];
	_ =	sdelay $0x3  }
0x96: {  	_ =	strace s3  }
0x97: {  	_ =	strace $0x8FFFFFFF  }
0x98: {  	s19 =	sld [smem:$0x3FDB];
	_ =	sdelay $0x1  }
0x99: {  	s4 =	simm.s32 $_scs_section_size  }
0x9a: {  	s5 =	simm.s32 $_size__tile_overlayer_lowered;
	s6 =	simm.s32 $_tile_overlayer_lowered  }
0x9b: {  	s22 =	simm.s32 $0x1BFF;
	s21 =	sshll.u32 s6, $0x1;
	s3 =	sadd.s32 s4, s19  }
0x9c: {  	s7 =	simm.s32 $0x0;
	s20 =	sshll.u32 s5, $0x1;
	s5 =	sadd.s32 s21, s3  }
0x9d: {  	[timem:s7], [sflag:s22] =	dma.local [hbm:s5], s20  }
0x9e: {  	_ =	swait.ge [sflag:s22], s20  }
0x9f: {  	s4 =	ssub.s32 $0x0, s20;
	[sflag:s22] =	ssyncset.done $0x0  }
0xa0: {  	[sflag:s22] =	ssyncadd.s32 s4;
	_ =	sdelay $0x1  }
0xa1: {  	s23 =	simm.s32 $0x1B8B  }
0xa2: {  	_ =	swait.ge [sflag:s23], $0x1  }
0xa3: {  	[sflag:s23] =	ssyncset.done $0x0  }
0xa4: {  	s25 =	simm.s32 $0x1B8E;
	s24 =	sld [smem:$0x3FFE];
	[sflag:s23] =	ssyncadd.s32 $0xFFFFFFFF  }
0xa5: {  	s26 =	simm.s32 $execute0_lowered;
	[smem:$0x3FD2] =	sst s25  }
0xa6: {  	s5 =	sshll.u32 s26, $0x1;
	_ =	strace $0x80000046;
	[dreg:$0x1] =	wrdreg $0xFFFFFFFF  }
0xa7: {  	s28 =	simm.s32 $_size_execute0_lowered;
	s3 =	sadd.s32 s3, s5;
	[dreg:$0x0] =	wrdreg $0x0  }
0xa8: {  	s5 =	sshll.u32 s28, $0x1;
	[dreg:$0x2] =	wrdreg s3  }
0xa9: {  	[dreg:$0x3] =	wrdreg s5  }
0xaa: {  	[dreg:$0x4] =	wrdreg $0xC0  }
0xab: {  	_ =	task [dreg:s7], $0x5FFFF  }
0xac: {  	[dreg:$0x1] =	wrdreg $0xFFFFFFFF  }
0xad: {  	[dreg:$0x0] =	wrdreg $0x60  }
0xae: {  	[dreg:$0x2] =	wrdreg s2  }
0xaf: {  	[dreg:$0x3] =	wrdreg s24  }
0xb0: {  	[dreg:$0x4] =	wrdreg $0x9  }
0xb1: {  	_ =	task.clear_ibuf [dreg:s7], $0x5FFFF;
	_ =	strace $0x90000046  }
0xb2: {  	s29 =	simm.s32 $0x9;
	_ =	strace $0x80000048  }
0xb3: {  	_ =	swait.ge [sflag:s29], $0x1  }
0xb4: {  	[sflag:s29] =	ssyncadd.s32 $0xFFFFFFFF  }
0xb5: {  	_ =	strace $0x90000048  }
0xb6: {  	_ =	sfence  }
0xb7: {  	s30 =	sld [smem:$0x0];
	_ =	sdelay $0x2  }
0xb8: {  	s31 =	sshll.u32 s1, $0xD;
	s1 =	sshrl.u32 s1, $0x2  }
0xb9: {  	s3 =	sand.u32 $0x4000, s31;
	s1 =	sadd.s32 s1, s30  }
0xba: {  	s0 =	sor.u32 s3, s0;
	s1 =	sshll.u32 s1, $0x11  }
0xbb: {  	s0 =	sor.u32 s1, s0  }
0xbc: {  	s0 =	sadd.s32 $0x8F2B, s0  }
0xbd: {  	[sflag:s0] =	ssyncadd.remote.s32 $0x1  }
0xbe: {  	_ =	sfence.sel $0xFFFF  }
0xbf: {  	[dreg:$0x0] =	wrdreg $0xFFFFFFFF;
	(pc) =	sbr.abs _section_cstart, $3  }
0xc0: {  	[dreg:$0x1] =	wrdreg $0xFFFFFFFF  }
0xc1: {  	_ =	task.clear_ibuf [dreg:s7], $0x2FFFF;
	_ =	strace $0x9FFFFFFF  }
0xc2: {  	(tm) =	ssettm $0x7FFFFFFF  }
0xc3: {  	_ =	shalt  }
tec
execute0_lowered:
.L_overlay_start_1:
0x0: {  	(tag) =	ssettag $0x1  }
0x1: {  	s1 =	rddreg [dreg:$0x0]  }
0x2: {  	s5 =	rddreg [dreg:$0x1];
	s2 =	srdreg.scid  }
0x3: {  	s0 =	rddreg [dreg:$0x2];
	s3 =	simm.s32 $0x0;
	s11 =	simm.s32 $0x1  }
0x4: {  	s12 =	simm.s32 $0x2;
	s13 =	simm.s32 $0x50;
	s14 =	simm.s32 $0x100  }
0x5: {  	s15 =	simm.s32 $0x2900;
	s16 =	simm.s32 $0x3;
	s6 =	sand.u32 $0x1, s2  }
0x6: {  	s17 =	simm.s32 $0x4;
	s2 =	stileid.u32;
	s7 =	smul.u32 $0x27100, s6  }
0x7: {  	s18 =	simm.s32 $0x0;
	[smem:$0x7FF] =	sst s3;
	s8 =	smul.u32 $0x2710, s2  }
0x8: {  	s4 =	sadd.s32 $0x19200, s5;
	s9 =	smul.u32 $0x271000, s6;
	s6 =	ssub.s32 $0x2, s6  }
0x9: {  	_ =	strace $0x80000047;
	s10 =	smul.u32 $0x27100, s2;
	s30 =	sshrl.u32 s6, $0x1  }
0xa: {  	s7 =	sadd.s32 s8, s7;
	s29 =	sadd.s32 s9, s5;
	s6 =	ssub.s32 s6, s30  }
0xb: {  	s7 =	sshrl.u32 s7, $0x3;
	s8 =	sadd.s32 s10, s29;
	s10 =	simm.s32 $0x80  }
0xc: {  	s31 =	sadd.s32 s7, s5;
	s5 =	smax.u32 s6, $0x1;
	s6 =	sadd.s32 $0x67600, s8  }
0xd: {  	s7 =	sadd.s32 $0x549600, s8;
	s8 =	sadd.s32 $0xF400, s31;
	s9 =	sadd.s32 $0x5600, s31  }
.LBB2_1:
0xe: {  	s19 =	sadd.s32 $0x0, s9  }
0xf: {  	[tilespmem:s3], [sflag:$0x1] =	stream.linear.gather [hbm4b:s19+s3], $0x50, $0x38;
	[tilespmem:$0x5100] =	vst v63  }
0x10: {  	s31 =	sadd.s32 $0x0, s8  }
0x11: {  	[tilespmem:s10], [sflag:$0x2] =	stream.linear.gather [hbm4b:s31+s3], $0x50, $0x38;
	[tilespmem:$0x5100] =	vst v63  }
0x12: {  	_ =	swait.ge [sflag:s11], $0x50  }
0x13: {  	[sflag:s11] =	ssyncset.done $0x0  }
0x14: {  	[sflag:s11] =	ssyncadd.s32 $0xFFFFFFB0  }
0x15: {  	_ =	swait.ge [sflag:s12], $0x50  }
0x16: {  	[sflag:s12] =	ssyncset.done $0x0  }
0x17: {  	[sflag:s12] =	ssyncadd.s32 $0xFFFFFFB0  }
0x18: {  	[tilespmem:s14], [sflag:$0x1] =	stream.indirect.gather [hbm4b:s1+s13], $0x80, s3, s13, $0xb8;
	[tilespmem:$0x5100] =	vst v63  }
0x19: {  	_ = 	snop  }
0x1a: {  	[tilespmem:s15], [sflag:$0x2] =	stream.indirect.gather [hbm4b:s4+s13], $0x80, s10, s13, $0xb8;
	[tilespmem:$0x5100] =	vst v63  }
0x1b: {  	_ =	swait.ge [sflag:s11], $0x2800  }
0x1c: {  	[sflag:s11] =	ssyncset.done $0x0  }
0x1d: {  	[sflag:s11] =	ssyncadd.s32 $0xFFFFD800  }
0x1e: {  	_ =	swait.ge [sflag:s12], $0x2800  }
0x1f: {  	[sflag:s12] =	ssyncset.done $0x0  }
0x20: {  	[sflag:s12] =	ssyncadd.s32 $0xFFFFD800  }
0x21: {  	[hbm4b:s6+s3] =	stream.linear.scatter [tilespmem:s14], [sflag:$0x3], $0x2800, $0x38;
	[tilespmem:$0x5100] =	vst v63  }
0x22: {  	_ = 	snop  }
0x23: {  	[hbm4b:s7+s3] =	stream.linear.scatter [tilespmem:s15], [sflag:$0x4], $0x2800, $0x38;
	[tilespmem:$0x5100] =	vst v63  }
0x24: {  	_ =	swait.ge [sflag:s16], $0x2800  }
0x25: {  	[sflag:s16] =	ssyncset.done $0x0  }
0x26: {  	[sflag:s16] =	ssyncadd.s32 $0xFFFFD800  }
0x27: {  	s21 =	simm.s32 $0xA;
	s22 =	simm.s32 $0x14;
	_ =	swait.ge [sflag:s17], $0x2800  }
0x28: {  	s20 =	sadd.s32 $0x500, s7;
	s19 =	sadd.s32 $0x500, s6;
	[sflag:s17] =	ssyncset.done $0x0  }
.LBB2_2:
0x29: {  	s23 =	sadd.s32 s21, s9  }
0x2a: {  	[sflag:s17] =	ssyncadd.s32 $0xFFFFD800;
	s24 =	smov.u32 s22;
	s25 =	sadd.s32 $0xA, s22  }
0x2b: {  	[tilespmem:s3], [sflag:$0x1] =	stream.linear.gather [hbm4b:s23+s3], $0x50, $0x38;
	[tilespmem:$0x5100] =	vst v63  }
0x2c: {  	p0 =	sne.s32 s22, $0x4D8;
	s22 =	sadd.s32 s21, s8;
	s21 =	smov.u32 s24  }
0x2d: {  	[tilespmem:s10], [sflag:$0x2] =	stream.linear.gather [hbm4b:s22+s3], $0x50, $0x38;
	[tilespmem:$0x5100] =	vst v63  }
0x2e: {  	_ =	swait.ge [sflag:s11], $0x50  }
0x2f: {  	[sflag:s11] =	ssyncset.done $0x0  }
0x30: {  	[sflag:s11] =	ssyncadd.s32 $0xFFFFFFB0  }
0x31: {  	_ =	swait.ge [sflag:s12], $0x50  }
0x32: {  	[sflag:s12] =	ssyncset.done $0x0  }
0x33: {  	[sflag:s12] =	ssyncadd.s32 $0xFFFFFFB0  }
0x34: {  	[tilespmem:s14], [sflag:$0x1] =	stream.indirect.gather [hbm4b:s1+s13], $0x80, s3, s13, $0xb8;
	[tilespmem:$0x5100] =	vst v63  }
0x35: {  	_ = 	snop  }
0x36: {  	[tilespmem:s15], [sflag:$0x2] =	stream.indirect.gather [hbm4b:s4+s13], $0x80, s10, s13, $0xb8;
	[tilespmem:$0x5100] =	vst v63  }
0x37: {  	_ =	swait.ge [sflag:s11], $0x2800  }
0x38: {  	[sflag:s11] =	ssyncset.done $0x0  }
0x39: {  	[sflag:s11] =	ssyncadd.s32 $0xFFFFD800  }
0x3a: {  	_ =	swait.ge [sflag:s12], $0x2800  }
0x3b: {  	[sflag:s12] =	ssyncset.done $0x0  }
0x3c: {  	[sflag:s12] =	ssyncadd.s32 $0xFFFFD800  }
0x3d: {  	[hbm4b:s19+s3] =	stream.linear.scatter [tilespmem:s14], [sflag:$0x3], $0x2800, $0x38;
	[tilespmem:$0x5100] =	vst v63  }
0x3e: {  	_ = 	snop  }
0x3f: {  	[hbm4b:s20+s3] =	stream.linear.scatter [tilespmem:s15], [sflag:$0x4], $0x2800, $0x38;
	[tilespmem:$0x5100] =	vst v63  }
.Ltmp0:
0x40: {  	_ =	swait.ge [sflag:s16], $0x2800;
	(pc) =	sbr.rel @p0 .LBB2_2-.Ltmp0, $4  }
0x41: {  	[sflag:s16] =	ssyncset.done $0x0  }
0x42: {  	[sflag:s16] =	ssyncadd.s32 $0xFFFFD800  }
0x43: {  	s22 =	smov.u32 s25;
	_ =	swait.ge [sflag:s17], $0x2800  }
0x44: {  	s19 =	sadd.s32 $0x500, s19;
	s20 =	sadd.s32 $0x500, s20;
	[sflag:s17] =	ssyncset.done $0x0  }
0x45: {  	s22 =	sadd.s32 s21, s9;
	[sflag:s17] =	ssyncadd.s32 $0xFFFFD800  }
0x46: {  	[tilespmem:s3], [sflag:$0x1] =	stream.linear.gather [hbm4b:s22+s3], $0x50, $0x38;
	[tilespmem:$0x5100] =	vst v63  }
0x47: {  	s31 =	sadd.s32 s21, s8  }
0x48: {  	[tilespmem:s10], [sflag:$0x2] =	stream.linear.gather [hbm4b:s31+s3], $0x50, $0x38;
	[tilespmem:$0x5100] =	vst v63  }
0x49: {  	_ =	swait.ge [sflag:s11], $0x50  }
0x4a: {  	[sflag:s11] =	ssyncset.done $0x0  }
0x4b: {  	[sflag:s11] =	ssyncadd.s32 $0xFFFFFFB0  }
0x4c: {  	_ =	swait.ge [sflag:s12], $0x50  }
0x4d: {  	[sflag:s12] =	ssyncset.done $0x0  }
0x4e: {  	[sflag:s12] =	ssyncadd.s32 $0xFFFFFFB0  }
0x4f: {  	[tilespmem:s14], [sflag:$0x1] =	stream.indirect.gather [hbm4b:s1+s13], $0x80, s3, s13, $0xb8;
	[tilespmem:$0x5100] =	vst v63  }
0x50: {  	_ = 	snop  }
0x51: {  	[tilespmem:s15], [sflag:$0x2] =	stream.indirect.gather [hbm4b:s4+s13], $0x80, s10, s13, $0xb8;
	[tilespmem:$0x5100] =	vst v63  }
0x52: {  	_ =	swait.ge [sflag:s11], $0x2800  }
0x53: {  	[sflag:s11] =	ssyncset.done $0x0  }
0x54: {  	[sflag:s11] =	ssyncadd.s32 $0xFFFFD800  }
0x55: {  	_ =	swait.ge [sflag:s12], $0x2800  }
0x56: {  	[sflag:s12] =	ssyncset.done $0x0  }
0x57: {  	[sflag:s12] =	ssyncadd.s32 $0xFFFFD800  }
0x58: {  	[hbm4b:s19+s3] =	stream.linear.scatter [tilespmem:s14], [sflag:$0x3], $0x2800, $0x38;
	[tilespmem:$0x5100] =	vst v63  }
0x59: {  	s18 =	sadd.s32 $0x1, s18  }
0x5a: {  	[hbm4b:s20+s3] =	stream.linear.scatter [tilespmem:s15], [sflag:$0x4], $0x2800, $0x38;
	[tilespmem:$0x5100] =	vst v63  }
0x5b: {  	p0 =	sne.s32 s18, s5;
	_ =	swait.ge [sflag:s16], $0x2800  }
.Ltmp1:
0x5c: {  	[sflag:s16] =	ssyncset.done $0x0;
	(pc) =	sbr.rel @p0 .LBB2_1-.Ltmp1, $4  }
0x5d: {  	[sflag:s16] =	ssyncadd.s32 $0xFFFFD800  }
0x5e: {  	_ =	swait.ge [sflag:s17], $0x2800  }
0x5f: {  	[sflag:s17] =	ssyncset.done $0x0  }
0x60: {  	[sflag:s17] =	ssyncadd.s32 $0xFFFFD800  }
0x61: {  	_ =	sfence.sel $0x180000  }
0x62: {  	[bflag:$0x0] =	sbarrier.arrive $0xFFFF  }
0x63: {  	p0 =	sne.s32 s2, $0x0;
	_ =	strace $0x90000047  }
0x64: {  	s0 =	sadd.s32 @!p0 $0x100000, s0;
	[bflag:$0x2] =	sbarrier.arrive $0xFFFF  }
0x65: {  	[sflag:s0] =	ssyncadd.tile.s32 @!p0 $0x1;
	_ =	shalt  }
.Lfunc_end2:
_tile_overlayer_lowered:
.L_overlay_start_2:
0x66: {  	(tag) =	ssettag $0x2  }
0x67: {  	s0 =	rddreg [dreg:$0x0];
	s2 =	stileid.u32  }
0x68: {  	s1 =	rddreg [dreg:$0x1];
	p0 =	sne.s32 s2, $0x0  }
0x69: {  	s3 =	rddreg [dreg:$0x2];
	[bflag:$0x3] =	sbarrier.arrive $0xFFFF;
	s2 =	simm.s32 @!p0 $0x1C05  }
0x6a: {  	[timem:s3], [sflag:s2] =	dma.local @!p0 [hbm:s0], s1  }
0x6b: {  	s0 =	simm.s32 @!p0 $0x5  }
0x6c: {  	_ =	swait.ge @!p0 [sflag:s0], s1  }
0x6d: {  	s1 =	ssub.s32 @!p0 $0x0, s1;
	[sflag:s0] =	ssyncset.done @!p0 $0x0  }
0x6e: {  	[sflag:s0] =	ssyncadd.s32 @!p0 s1  }
0x6f: {  	[bflag:$0x3] =	sbarrier.arrive $0xFFFF  }
0x70: {  	_ =	shalt  }

// kernel: kernel.15.cloned.1.call-start
scs
__scs_entry_jumppad:
0x0: {  	(pc) =	sbr.rel $0x88, $3  }
0x1: {  	(tag) =	ssettag $0x0;
	lr =	simm.s32 $0x1  }
0x2: {  	[smem:$0x3F8E] =	sst lr;
	_ =	strace $0xD0000000  }
0x3: {  	_ = 	snop  }
0x4: {  	_ = 	snop  }
0x5: {  	_ = 	snop  }
0x6: {  	_ = 	snop  }
0x7: {  	_ = 	snop  }
__scs_overlays_trampoline_lowered:
0x8: {  	[smem:$0x3F9D] =	sst s0  }
0x9: {  	[smem:$0x3F9E] =	sst s1  }
0xa: {  	[smem:$0x3F9F] =	sst s2  }
0xb: {  	[smem:$0x3FA0] =	sst s3  }
0xc: {  	[smem:$0x3FA1] =	sst s4  }
0xd: {  	[smem:$0x3FA2] =	sst s5  }
0xe: {  	[smem:$0x3FA3] =	sst s6  }
0xf: {  	[smem:$0x3FA4] =	sst s7  }
0x10: {  	[smem:$0x3FA5] =	sst s8  }
0x11: {  	[smem:$0x3FA6] =	sst s9;
	s0 =	simm.s32 @!p0 $0x0  }
0x12: {  	s1 =	sld [smem:$0x3F8C];
	s0 =	simm.s32 @p0 $0x1  }
0x13: {  	[smem:$0x3FA7] =	sst s0;
	s0 =	simm.s32 @!p1 $0x0  }
0x14: {  	s2 =	sld [smem:$0x3F8B];
	s0 =	simm.s32 @p1 $0x1  }
0x15: {  	[smem:$0x3FA8] =	sst s0;
	s0 =	simm.s32 @!p2 $0x0  }
0x16: {  	s3 =	sld [smem:$0x3FDB];
	s0 =	simm.s32 @p2 $0x1  }
0x17: {  	s4 =	simm.s32 $0x1BF5;
	[smem:$0x3FAA] =	sst s0  }
0x18: {  	s0 =	sld [smem:$0x3F8D];
	_ =	swait.ge [sflag:s4], $0x0  }
0x19: {  	s7 =	sld [smem:$0x3F8E]  }
0x1a: {  	s8 =	sadd.s32 $0xFFFFE003, lr  }
0x1b: {  	s9 =	sadd.s32 $0xFFFFFEF7, lr;
	s5 =	simm.s32 $0xFFFFFFFF;
	p2 =	slt.u32 s8, $0xFFFFF086  }
0x1c: {  	p1 =	slt.u32 s9, $0xF7A;
	s5 =	simm.s32 @!p2 $0x0  }
0x1d: {  	s5 =	simm.s32 @p1 $0x1;
	p0 =	seq.s32 s7, s2  }
0x1e: {  	s7 =	smul.u32 @!p0 $0xF7A, s2;
	p2 =	seq.s32 @!p0 s5, $0x0  }
0x1f: {  	s9 =	smul.u32 $0xF7A, s1;
	s8 =	simm.s32 @!p0 $0x1BF5;
	p2 =	por !p2, p0  }
0x20: {  	[sflag:s8] =	ssyncset.s32 @!p0 $0xFFFFF086;
	s6 =	sadd.s32 @!p0 s3, s7;
	s7 =	simm.s32 @!p0 $0x108  }
0x21: {  	s3 =	sadd.s32 s3, s9;
	s6 =	sadd.s32 @!p0 $0x88, s6;
	s7 =	simm.s32 @p2 $0x1082  }
0x22: {  	[simem:s7], [sflag:s8] =	dma.local @!p0 [hbm:s6], $0xF7A  }
0x23: {  	s9 =	sor.u32 $0xD0000000, s2;
	s6 =	simm.s32 $0x108;
	_ =	swait.ge @!p0 [sflag:s8], $0x0  }
0x24: {  	s3 =	sadd.s32 $0x88, s3;
	s6 =	simm.s32 @!p1 $0x1082;
	[sflag:s4] =	ssyncset.s32 $0xFFFFF086  }
0x25: {  	[simem:s6], [sflag:s4] =	dma.local [hbm:s3], $0xF7A  }
0x26: {  	[smem:$0x3F8E] =	sst s1;
	(tag) =	ssettag s2;
	_ =	strace s9  }
0x27: {  	s1 =	sld [smem:$0x3F9E]  }
0x28: {  	s2 =	sld [smem:$0x3F9F]  }
0x29: {  	s4 =	sld [smem:$0x3FA1]  }
0x2a: {  	p0 =	seq.s32 s5, $0x0;
	s5 =	sld [smem:$0x3FA2]  }
0x2b: {  	s6 =	sld [smem:$0x3FA3]  }
0x2c: {  	s7 =	sld [smem:$0x3FA4]  }
0x2d: {  	s3 =	simm.s32 $0x108;
	s8 =	sld [smem:$0x3FA5]  }
0x2e: {  	s3 =	simm.s32 @!p0 $0x1082;
	s9 =	sld [smem:$0x3FA6]  }
0x2f: {  	lr =	sadd.s32 s0, s3;
	s0 =	sld [smem:$0x3F9D]  }
0x30: {  	s3 =	sld [smem:$0x3FA0]  }
0x31: {  	[smem:$0x3FA9] =	sst s10  }
0x32: {  	s10 =	sld [smem:$0x3FA7];
	_ =	sdelay $0x3  }
0x33: {  	p0 =	seq.s32 s10, $0x1;
	s10 =	sld [smem:$0x3FA9];
	_ =	sdelay $0x3  }
0x34: {  	[smem:$0x3FA9] =	sst s10  }
0x35: {  	s10 =	sld [smem:$0x3FA8];
	_ =	sdelay $0x3  }
0x36: {  	p1 =	seq.s32 s10, $0x1;
	s10 =	sld [smem:$0x3FA9];
	_ =	sdelay $0x3  }
0x37: {  	[smem:$0x3FA9] =	sst s10  }
0x38: {  	s10 =	sld [smem:$0x3FAA]  }
0x39: {  	_ = 	snop;
	(pc) =	sbr.ind lr, $3  }
0x3a: {  	_ = 	snop  }
0x3b: {  	_ = 	snop  }
0x3c: {  	p2 =	seq.s32 s10, $0x1;
	s10 =	sld [smem:$0x3FA9]  }
0x3d: {  	_ =	shalt  }
0x3e: {  	_ =	shalt  }
0x3f: {  	_ =	shalt  }
0x40: {  	_ =	shalt  }
0x41: {  	_ =	shalt  }
0x42: {  	_ =	shalt  }
0x43: {  	_ =	shalt  }
0x44: {  	_ =	shalt  }
0x45: {  	_ =	shalt  }
0x46: {  	_ =	shalt  }
0x47: {  	_ =	shalt  }
0x48: {  	_ =	shalt  }
0x49: {  	_ =	shalt  }
0x4a: {  	_ =	shalt  }
0x4b: {  	_ =	shalt  }
0x4c: {  	_ =	shalt  }
0x4d: {  	_ =	shalt  }
0x4e: {  	_ =	shalt  }
0x4f: {  	_ =	shalt  }
0x50: {  	_ =	shalt  }
0x51: {  	_ =	shalt  }
0x52: {  	_ =	shalt  }
0x53: {  	_ =	shalt  }
0x54: {  	_ =	shalt  }
0x55: {  	_ =	shalt  }
0x56: {  	_ =	shalt  }
0x57: {  	_ =	shalt  }
0x58: {  	_ =	shalt  }
0x59: {  	_ =	shalt  }
0x5a: {  	_ =	shalt  }
0x5b: {  	_ =	shalt  }
0x5c: {  	_ =	shalt  }
0x5d: {  	_ =	shalt  }
0x5e: {  	_ =	shalt  }
0x5f: {  	_ =	shalt  }
0x60: {  	_ =	shalt  }
0x61: {  	_ =	shalt  }
0x62: {  	_ =	shalt  }
0x63: {  	_ =	shalt  }
0x64: {  	_ =	shalt  }
0x65: {  	_ =	shalt  }
0x66: {  	_ =	shalt  }
0x67: {  	_ =	shalt  }
0x68: {  	_ =	shalt  }
0x69: {  	_ =	shalt  }
0x6a: {  	_ =	shalt  }
0x6b: {  	_ =	shalt  }
0x6c: {  	_ =	shalt  }
0x6d: {  	_ =	shalt  }
0x6e: {  	_ =	shalt  }
0x6f: {  	_ =	shalt  }
0x70: {  	_ =	shalt  }
0x71: {  	_ =	shalt  }
0x72: {  	_ =	shalt  }
0x73: {  	_ =	shalt  }
0x74: {  	_ =	shalt  }
0x75: {  	_ =	shalt  }
0x76: {  	_ =	shalt  }
0x77: {  	_ =	shalt  }
0x78: {  	_ =	shalt  }
0x79: {  	_ =	shalt  }
0x7a: {  	_ =	shalt  }
0x7b: {  	_ =	shalt  }
0x7c: {  	_ =	shalt  }
0x7d: {  	_ =	shalt  }
0x7e: {  	_ =	shalt  }
0x7f: {  	_ =	shalt  }
0x80: {  	_ =	shalt  }
0x81: {  	_ =	shalt  }
0x82: {  	_ =	shalt  }
0x83: {  	_ =	shalt  }
0x84: {  	_ =	shalt  }
0x85: {  	_ =	shalt  }
0x86: {  	_ =	shalt  }
0x87: {  	_ =	shalt  }
.Lfunc_end0:
.L_simem_size_0:
called_computation.1_lowered:
.L_overlay_start_0:
0x88: {  	s2 =	sld [smem:$0x3FD9]  }
0x89: {  	s3 =	sld [smem:$0x3FFE];
	_ =	sdelay $0x1  }
0x8a: {  	s1 =	srdreg.scid  }
0x8b: {  	s0 =	sand.u32 $0x1, s1  }
0x8c: {  	s17 =	sshll.u32 s0, $0xA;
	s2 =	sadd.s32 s3, s2  }
0x8d: {  	s2 =	sadd.s32 s2, s17  }
0x8e: {  	[smem:$0x3FB5] =	sst s2  }
0x8f: {  	_ = 	snop  }
0x90: {  	s2 =	sld [smem:$0x3FD0];
	(tm) =	ssettm $0x1  }
0x91: {  	s18 =	sld [smem:$0x3FFB];
	_ =	sdelay $0x3  }
0x92: {  	_ =	strace s18  }
0x93: {  	s3 =	sld [smem:$0x3FFC];
	_ =	sdelay $0x3  }
0x94: {  	_ =	strace s3  }
0x95: {  	s3 =	sld [smem:$0x3FFD];
	_ =	sdelay $0x3  }
0x96: {  	_ =	strace s3  }
0x97: {  	_ =	strace $0x8FFFFFFF  }
0x98: {  	s19 =	sld [smem:$0x3FDB];
	_ =	sdelay $0x1  }
0x99: {  	s4 =	simm.s32 $_scs_section_size  }
0x9a: {  	s5 =	simm.s32 $_size__tile_overlayer_lowered;
	s6 =	simm.s32 $_tile_overlayer_lowered  }
0x9b: {  	s22 =	simm.s32 $0x1BFF;
	s21 =	sshll.u32 s6, $0x1;
	s3 =	sadd.s32 s4, s19  }
0x9c: {  	s7 =	simm.s32 $0x0;
	s20 =	sshll.u32 s5, $0x1;
	s5 =	sadd.s32 s21, s3  }
0x9d: {  	[timem:s7], [sflag:s22] =	dma.local [hbm:s5], s20  }
0x9e: {  	_ =	swait.ge [sflag:s22], s20  }
0x9f: {  	s4 =	ssub.s32 $0x0, s20;
	[sflag:s22] =	ssyncset.done $0x0  }
0xa0: {  	[sflag:s22] =	ssyncadd.s32 s4;
	_ =	sdelay $0x1  }
0xa1: {  	s23 =	simm.s32 $0x1B8B  }
0xa2: {  	_ =	swait.ge [sflag:s23], $0x1  }
0xa3: {  	[sflag:s23] =	ssyncset.done $0x0  }
0xa4: {  	s25 =	simm.s32 $0x1B8E;
	s24 =	sld [smem:$0x3FFE];
	[sflag:s23] =	ssyncadd.s32 $0xFFFFFFFF  }
0xa5: {  	s26 =	simm.s32 $execute0_lowered;
	[smem:$0x3FD2] =	sst s25  }
0xa6: {  	s5 =	sshll.u32 s26, $0x1;
	_ =	strace $0x80000049;
	[dreg:$0x1] =	wrdreg $0xFFFFFFFF  }
0xa7: {  	s28 =	simm.s32 $_size_execute0_lowered;
	s3 =	sadd.s32 s3, s5;
	[dreg:$0x0] =	wrdreg $0x0  }
0xa8: {  	s5 =	sshll.u32 s28, $0x1;
	[dreg:$0x2] =	wrdreg s3  }
0xa9: {  	[dreg:$0x3] =	wrdreg s5  }
0xaa: {  	[dreg:$0x4] =	wrdreg $0xC0  }
0xab: {  	_ =	task [dreg:s7], $0x5FFFF  }
0xac: {  	[dreg:$0x1] =	wrdreg $0xFFFFFFFF  }
0xad: {  	[dreg:$0x0] =	wrdreg $0x60  }
0xae: {  	[dreg:$0x2] =	wrdreg s24  }
0xaf: {  	[dreg:$0x3] =	wrdreg s2  }
0xb0: {  	[dreg:$0x4] =	wrdreg $0x0  }
0xb1: {  	[dreg:$0x5] =	wrdreg $0x9  }
0xb2: {  	_ =	task.clear_ibuf [dreg:s7], $0x6FFFF;
	_ =	strace $0x90000049  }
0xb3: {  	s29 =	simm.s32 $0x9;
	_ =	strace $0x8000004B  }
0xb4: {  	_ =	swait.ge [sflag:s29], $0x1  }
0xb5: {  	[sflag:s29] =	ssyncadd.s32 $0xFFFFFFFF  }
0xb6: {  	_ =	strace $0x9000004B  }
0xb7: {  	_ =	sfence  }
0xb8: {  	s30 =	sld [smem:$0x0];
	_ =	sdelay $0x2  }
0xb9: {  	s31 =	sshll.u32 s1, $0xD;
	s1 =	sshrl.u32 s1, $0x2  }
0xba: {  	s3 =	sand.u32 $0x4000, s31;
	s1 =	sadd.s32 s1, s30  }
0xbb: {  	s0 =	sor.u32 s3, s0;
	s1 =	sshll.u32 s1, $0x11  }
0xbc: {  	s0 =	sor.u32 s1, s0  }
0xbd: {  	s0 =	sadd.s32 $0x8F2B, s0  }
0xbe: {  	[sflag:s0] =	ssyncadd.remote.s32 $0x1  }
0xbf: {  	_ =	sfence.sel $0xFFFF  }
0xc0: {  	[dreg:$0x0] =	wrdreg $0xFFFFFFFF;
	(pc) =	sbr.abs _section_cstart, $3  }
0xc1: {  	[dreg:$0x1] =	wrdreg $0xFFFFFFFF  }
0xc2: {  	_ =	task.clear_ibuf [dreg:s7], $0x2FFFF;
	_ =	strace $0x9FFFFFFF  }
0xc3: {  	(tm) =	ssettm $0x7FFFFFFF  }
tec
execute0_lowered:
.L_overlay_start_1:
0x0: {  	(tag) =	ssettag $0x1  }
0x1: {  	s6 =	rddreg [dreg:$0x0]  }
0x2: {  	s2 =	rddreg [dreg:$0x1]  }
0x3: {  	s3 =	rddreg [dreg:$0x2]  }
0x4: {  	s0 =	rddreg [dreg:$0x3];
	s4 =	simm.s32 $0x0  }
0x5: {  	s1 =	stileid.u32;
	s8 =	srdreg.scid;
	s15 =	simm.s32 $0x13900  }
0x6: {  	s16 =	simm.s32 $0x1;
	s17 =	simm.s32 $0x2;
	s18 =	simm.s32 $0x50  }
0x7: {  	s19 =	simm.s32 $0x3;
	s22 =	simm.s32 $0x0;
	s5 =	smul.u32 $0x4E200, s1  }
0x8: {  	[smem:$0x7FF] =	sst s4;
	s7 =	smul.u32 $0x9C4, s1;
	s14 =	sand.u32 $0x1, s8  }
0x9: {  	s30 =	smul.u32 $0x7D000, s1;
	p0 =	sgt.u32 s1, $0x9;
	s20 =	sshll.u32 s1, $0x6  }
0xa: {  	p2 =	slt.u32 s1, $0xA;
	_ =	strace $0x8000004A;
	s31 =	ssub.s32 $0x2, s14  }
0xb: {  	s12 =	sshll.u32 @!p0 s1, $0x6;
	p1 =	sne.s32 s14, $0x0;
	s14 =	simm.s32 $0x13880  }
0xc: {  	s20 =	sor.u32 $0x1C01, s20;
	s11 =	sadd.s32 s5, s6;
	s10 =	sadd.s32 s7, s6  }
.Ltmp0:
0xd: {  	s5 =	sadd.s32 $0x19200, s6;
	s9 =	sshrl.u32 s31, $0x1;
	(pc) =	sbr.rel .LBB2_1-.Ltmp0, $4  }
0xe: {  	s8 =	sshrl.u32 s30, $0x2;
	s6 =	sadd.s32 $0x67600, s6;
	s7 =	smul.u32 $0x3E80, s1  }
0xf: {  	s12 =	sor.u32 @!p0 $0x1C01, s12;
	s9 =	ssub.s32 s31, s9;
	s21 =	sadd.s32 s8, s3  }
0x10: {  	s10 =	sadd.s32 $0xF400, s10;
	s8 =	smax.u32 s9, $0x1;
	s9 =	sadd.s32 $0xF0D600, s11  }
0x11: {  	s11 =	sadd.s32 $0xA2B600, s11;
	s13 =	sshrl.u32 @!p0 s21, $0x3;
	s21 =	sshrl.u32 s21, $0x3  }
.LBB2_8:
0x12: {  	s23 =	sadd.s32 s23, s7  }
0x13: {  	[hbm:s23], [sflag:s20] =	dma.local [spmem:s21], $0x3E80  }
0x14: {  	_ =	swait.ge [sflag:s16], $0x3E80  }
0x15: {  	[sflag:s16] =	ssyncset.done $0x0  }
0x16: {  	[sflag:s16] =	ssyncadd.s32 $0xFFFFC180  }
.LBB2_9:
0x17: {  	s22 =	sadd.s32 $0x1, s22  }
0x18: {  	p3 =	sne.s32 s22, s8  }
.Ltmp1:
0x19: {  	_ = 	snop;
	(pc) =	sbr.rel @!p3 .LBB2_10-.Ltmp1, $1  }
0x1a: {  	_ =	sdelay $0x3  }
.LBB2_1:
0x1b: {  	[spmem:s13], [sflag:s12] =	dma.local @!p0 [hbm:s5], $0x3E80  }
0x1c: {  	s23 =	simm.s32 @!p0 $0x1  }
.Ltmp2:
0x1d: {  	_ =	swait.ge @!p0 [sflag:s23], $0x3E80;
	(pc) =	sbr.rel @p1 .LBB2_5-.Ltmp2, $4  }
0x1e: {  	[sflag:s23] =	ssyncset.done @!p0 $0x0  }
0x1f: {  	[sflag:s23] =	ssyncadd.s32 @!p0 $0xFFFFC180  }
0x20: {  	[bflag:$0x0] =	sbarrier.arrive $0xFFFF  }
0x21: {  	s23 =	sadd.s32 $0x0, s10  }
0x22: {  	[tilespmem:s14], [sflag:$0x1] =	stream.linear.gather [hbm4b:s23+s4], $0x50, $0x38;
	[tilespmem:$0x16100] =	vst v63  }
0x23: {  	_ = 	snop  }
0x24: {  	[tilespmem:s15], [sflag:$0x2] =	stream.linear.gather [hbm4b:s11+s4], $0x2800, $0x38;
	[tilespmem:$0x16100] =	vst v63  }
0x25: {  	_ =	swait.ge [sflag:s16], $0x50  }
0x26: {  	[sflag:s16] =	ssyncset.done $0x0  }
0x27: {  	[sflag:s16] =	ssyncadd.s32 $0xFFFFFFB0  }
0x28: {  	_ =	swait.ge [sflag:s17], $0x2800  }
0x29: {  	[sflag:s17] =	ssyncset.done $0x0  }
0x2a: {  	[sflag:s17] =	ssyncadd.s32 $0xFFFFD800  }
0x2b: {  	[spmem:s3] =	stream.indirect.scatter.add.f32 [tilespmem:s15], [sflag:$0x3], $0x80, s14, s18, $0xb8;
	[tilespmem:$0x16100] =	vst v63  }
0x2c: {  	s24 =	simm.s32 $0xA;
	_ =	swait.ge [sflag:s19], $0x2800  }
0x2d: {  	s25 =	simm.s32 $0x14;
	s23 =	sadd.s32 $0x500, s11;
	[sflag:s19] =	ssyncset.done $0x0  }
.LBB2_3:
0x2e: {  	s26 =	sadd.s32 s24, s10  }
0x2f: {  	[sflag:s19] =	ssyncadd.s32 $0xFFFFD800;
	s24 =	smov.u32 s25;
	s28 =	sadd.s32 $0xA, s25  }
0x30: {  	[tilespmem:s14], [sflag:$0x1] =	stream.linear.gather [hbm4b:s26+s4], $0x50, $0x38;
	[tilespmem:$0x16100] =	vst v63  }
0x31: {  	p3 =	seq.s32 s25, $0x9BA  }
0x32: {  	[tilespmem:s15], [sflag:$0x2] =	stream.linear.gather [hbm4b:s23+s4], $0x2800, $0x38;
	[tilespmem:$0x16100] =	vst v63  }
0x33: {  	_ =	swait.ge [sflag:s16], $0x50  }
0x34: {  	[sflag:s16] =	ssyncset.done $0x0  }
0x35: {  	[sflag:s16] =	ssyncadd.s32 $0xFFFFFFB0  }
0x36: {  	_ =	swait.ge [sflag:s17], $0x2800  }
.Ltmp3:
0x37: {  	[sflag:s17] =	ssyncset.done $0x0;
	(pc) =	sbr.rel @!p3 .LBB2_3-.Ltmp3, $4  }
0x38: {  	[sflag:s17] =	ssyncadd.s32 $0xFFFFD800  }
0x39: {  	[spmem:s3] =	stream.indirect.scatter.add.f32 [tilespmem:s15], [sflag:$0x3], $0x80, s14, s18, $0xb8;
	[tilespmem:$0x16100] =	vst v63  }
0x3a: {  	_ =	swait.ge [sflag:s19], $0x2800  }
0x3b: {  	s25 =	smov.u32 s28;
	s23 =	sadd.s32 $0x500, s23;
	[sflag:s19] =	ssyncset.done $0x0  }
0x3c: {  	s24 =	sadd.s32 s24, s10;
	[sflag:s19] =	ssyncadd.s32 $0xFFFFD800  }
0x3d: {  	[tilespmem:s14], [sflag:$0x1] =	stream.linear.gather [hbm4b:s24+s4], $0x50, $0x38;
	[tilespmem:$0x16100] =	vst v63  }
0x3e: {  	_ = 	snop  }
0x3f: {  	[tilespmem:s15], [sflag:$0x2] =	stream.linear.gather [hbm4b:s23+s4], $0x2800, $0x38;
	[tilespmem:$0x16100] =	vst v63  }
0x40: {  	_ =	swait.ge [sflag:s16], $0x50  }
0x41: {  	[sflag:s16] =	ssyncset.done $0x0  }
0x42: {  	[sflag:s16] =	ssyncadd.s32 $0xFFFFFFB0  }
0x43: {  	_ =	swait.ge [sflag:s17], $0x2800  }
0x44: {  	[sflag:s17] =	ssyncset.done $0x0  }
0x45: {  	[sflag:s17] =	ssyncadd.s32 $0xFFFFD800  }
0x46: {  	[spmem:s3] =	stream.indirect.scatter.add.f32 [tilespmem:s15], [sflag:$0x3], $0x80, s14, s18, $0xb8;
	[tilespmem:$0x16100] =	vst v63  }
.Ltmp4:
0x47: {  	_ =	swait.ge [sflag:s19], $0x2800;
	(pc) =	sbr.rel @p0 .LBB2_9-.Ltmp4, $4  }
.Ltmp5:
0x48: {  	[sflag:s19] =	ssyncset.done $0x0;
	(pc) =	sbr.rel @!p0 .LBB2_8-.Ltmp5, $4  }
0x49: {  	[sflag:s19] =	ssyncadd.s32 $0xFFFFD800  }
0x4a: {  	[bflag:$0x0] =	sbarrier.arrive $0xFFFF  }
0x4b: {  	s23 =	smov.u32 s2  }
0x4c: {  	_ = 	snop  }
.LBB2_5:
0x4d: {  	[tilespmem:s14], [sflag:$0x1] =	stream.linear.gather [hbm4b:s23+s4], $0x50, $0x38;
	[tilespmem:$0x16100] =	vst v63  }
0x4e: {  	_ = 	snop  }
0x4f: {  	[tilespmem:s15], [sflag:$0x2] =	stream.linear.gather [hbm4b:s9+s4], $0x2800, $0x38;
	[tilespmem:$0x16100] =	vst v63  }
0x50: {  	_ =	swait.ge [sflag:s16], $0x50  }
0x51: {  	[sflag:s16] =	ssyncset.done $0x0  }
0x52: {  	[sflag:s16] =	ssyncadd.s32 $0xFFFFFFB0  }
0x53: {  	_ =	swait.ge [sflag:s17], $0x2800  }
0x54: {  	[sflag:s17] =	ssyncset.done $0x0  }
0x55: {  	[sflag:s17] =	ssyncadd.s32 $0xFFFFD800  }
0x56: {  	[spmem:s3] =	stream.indirect.scatter.add.f32 [tilespmem:s15], [sflag:$0x3], $0x80, s14, s18, $0xb8;
	[tilespmem:$0x16100] =	vst v63  }
0x57: {  	s24 =	simm.s32 $0xA;
	_ =	swait.ge [sflag:s19], $0x2800  }
0x58: {  	s25 =	simm.s32 $0x14;
	s23 =	sadd.s32 $0x500, s9;
	[sflag:s19] =	ssyncset.done $0x0  }
.LBB2_6:
0x59: {  	s26 =	sadd.s32 s24, s10  }
0x5a: {  	[sflag:s19] =	ssyncadd.s32 $0xFFFFD800;
	s24 =	smov.u32 s25;
	s28 =	sadd.s32 $0xA, s25  }
0x5b: {  	[tilespmem:s14], [sflag:$0x1] =	stream.linear.gather [hbm4b:s26+s4], $0x50, $0x38;
	[tilespmem:$0x16100] =	vst v63  }
0x5c: {  	p3 =	sne.s32 s25, $0x9BA  }
0x5d: {  	[tilespmem:s15], [sflag:$0x2] =	stream.linear.gather [hbm4b:s23+s4], $0x2800, $0x38;
	[tilespmem:$0x16100] =	vst v63  }
0x5e: {  	_ =	swait.ge [sflag:s16], $0x50  }
0x5f: {  	[sflag:s16] =	ssyncset.done $0x0  }
0x60: {  	[sflag:s16] =	ssyncadd.s32 $0xFFFFFFB0  }
0x61: {  	_ =	swait.ge [sflag:s17], $0x2800  }
.Ltmp6:
0x62: {  	[sflag:s17] =	ssyncset.done $0x0;
	(pc) =	sbr.rel @p3 .LBB2_6-.Ltmp6, $4  }
0x63: {  	[sflag:s17] =	ssyncadd.s32 $0xFFFFD800  }
0x64: {  	[spmem:s3] =	stream.indirect.scatter.add.f32 [tilespmem:s15], [sflag:$0x3], $0x80, s14, s18, $0xb8;
	[tilespmem:$0x16100] =	vst v63  }
0x65: {  	_ =	swait.ge [sflag:s19], $0x2800  }
0x66: {  	s25 =	smov.u32 s28;
	s23 =	sadd.s32 $0x500, s23;
	[sflag:s19] =	ssyncset.done $0x0  }
0x67: {  	s24 =	sadd.s32 s24, s10;
	[sflag:s19] =	ssyncadd.s32 $0xFFFFD800  }
0x68: {  	[tilespmem:s14], [sflag:$0x1] =	stream.linear.gather [hbm4b:s24+s4], $0x50, $0x38;
	[tilespmem:$0x16100] =	vst v63  }
0x69: {  	_ = 	snop  }
0x6a: {  	[tilespmem:s15], [sflag:$0x2] =	stream.linear.gather [hbm4b:s23+s4], $0x2800, $0x38;
	[tilespmem:$0x16100] =	vst v63  }
0x6b: {  	_ =	swait.ge [sflag:s16], $0x50  }
0x6c: {  	[sflag:s16] =	ssyncset.done $0x0  }
0x6d: {  	[sflag:s16] =	ssyncadd.s32 $0xFFFFFFB0  }
0x6e: {  	_ =	swait.ge [sflag:s17], $0x2800  }
0x6f: {  	[sflag:s17] =	ssyncset.done $0x0  }
0x70: {  	[sflag:s17] =	ssyncadd.s32 $0xFFFFD800  }
0x71: {  	[spmem:s3] =	stream.indirect.scatter.add.f32 [tilespmem:s15], [sflag:$0x3], $0x80, s14, s18, $0xb8;
	[tilespmem:$0x16100] =	vst v63  }
.Ltmp7:
0x72: {  	_ =	swait.ge [sflag:s19], $0x2800;
	(pc) =	sbr.rel @!p2 .LBB2_9-.Ltmp7, $4  }
.Ltmp8:
0x73: {  	[sflag:s19] =	ssyncset.done $0x0;
	(pc) =	sbr.rel @p2 .LBB2_8-.Ltmp8, $4  }
0x74: {  	[sflag:s19] =	ssyncadd.s32 $0xFFFFD800  }
0x75: {  	[bflag:$0x0] =	sbarrier.arrive $0xFFFF  }
0x76: {  	s23 =	smov.u32 s6  }
0x77: {  	_ = 	snop  }
.LBB2_10:
0x78: {  	_ =	sfence.sel $0x180000  }
0x79: {  	[bflag:$0x0] =	sbarrier.arrive $0xFFFF  }
0x7a: {  	p0 =	sne.s32 s1, $0x0;
	_ =	strace $0x9000004A  }
0x7b: {  	s0 =	sadd.s32 @!p0 $0x100000, s0;
	[bflag:$0x2] =	sbarrier.arrive $0xFFFF  }
0x7c: {  	[sflag:s0] =	ssyncadd.tile.s32 @!p0 $0x1;
	_ =	shalt  }
.Lfunc_end2:
_tile_overlayer_lowered:
.L_overlay_start_2:
0x7d: {  	(tag) =	ssettag $0x2  }
0x7e: {  	s0 =	rddreg [dreg:$0x0];
	s2 =	stileid.u32  }
0x7f: {  	s1 =	rddreg [dreg:$0x1];
	p0 =	sne.s32 s2, $0x0  }
0x80: {  	s3 =	rddreg [dreg:$0x2];
	[bflag:$0x3] =	sbarrier.arrive $0xFFFF;
	s2 =	simm.s32 @!p0 $0x1C03  }
0x81: {  	[timem:s3], [sflag:s2] =	dma.local @!p0 [hbm:s0], s1  }
0x82: {  	s0 =	simm.s32 @!p0 $0x3  }
0x83: {  	_ =	swait.ge @!p0 [sflag:s0], s1  }
0x84: {  	s1 =	ssub.s32 @!p0 $0x0, s1;
	[sflag:s0] =	ssyncset.done @!p0 $0x0  }
0x85: {  	[sflag:s0] =	ssyncadd.s32 @!p0 s1  }
0x86: {  	[bflag:$0x3] =	sbarrier.arrive $0xFFFF  }
0x87: {  	_ =	shalt  }

// kernel: kernel.18.cloned.1.call-start
scs
__scs_entry_jumppad:
0x0: {  	(pc) =	sbr.rel $0x88, $3  }
0x1: {  	(tag) =	ssettag $0x0;
	lr =	simm.s32 $0x1  }
0x2: {  	[smem:$0x3F8E] =	sst lr;
	_ =	strace $0xD0000000  }
0x3: {  	_ = 	snop  }
0x4: {  	_ = 	snop  }
0x5: {  	_ = 	snop  }
0x6: {  	_ = 	snop  }
0x7: {  	_ = 	snop  }
__scs_overlays_trampoline_lowered:
0x8: {  	[smem:$0x3F9D] =	sst s0  }
0x9: {  	[smem:$0x3F9E] =	sst s1  }
0xa: {  	[smem:$0x3F9F] =	sst s2  }
0xb: {  	[smem:$0x3FA0] =	sst s3  }
0xc: {  	[smem:$0x3FA1] =	sst s4  }
0xd: {  	[smem:$0x3FA2] =	sst s5  }
0xe: {  	[smem:$0x3FA3] =	sst s6  }
0xf: {  	[smem:$0x3FA4] =	sst s7  }
0x10: {  	[smem:$0x3FA5] =	sst s8  }
0x11: {  	[smem:$0x3FA6] =	sst s9;
	s0 =	simm.s32 @!p0 $0x0  }
0x12: {  	s1 =	sld [smem:$0x3F8C];
	s0 =	simm.s32 @p0 $0x1  }
0x13: {  	[smem:$0x3FA7] =	sst s0;
	s0 =	simm.s32 @!p1 $0x0  }
0x14: {  	s2 =	sld [smem:$0x3F8B];
	s0 =	simm.s32 @p1 $0x1  }
0x15: {  	[smem:$0x3FA8] =	sst s0;
	s0 =	simm.s32 @!p2 $0x0  }
0x16: {  	s3 =	sld [smem:$0x3FDB];
	s0 =	simm.s32 @p2 $0x1  }
0x17: {  	s4 =	simm.s32 $0x1BF5;
	[smem:$0x3FAA] =	sst s0  }
0x18: {  	s0 =	sld [smem:$0x3F8D];
	_ =	swait.ge [sflag:s4], $0x0  }
0x19: {  	s7 =	sld [smem:$0x3F8E]  }
0x1a: {  	s8 =	sadd.s32 $0xFFFFE003, lr  }
0x1b: {  	s9 =	sadd.s32 $0xFFFFFEF7, lr;
	s5 =	simm.s32 $0xFFFFFFFF;
	p2 =	slt.u32 s8, $0xFFFFF086  }
0x1c: {  	p1 =	slt.u32 s9, $0xF7A;
	s5 =	simm.s32 @!p2 $0x0  }
0x1d: {  	s5 =	simm.s32 @p1 $0x1;
	p0 =	seq.s32 s7, s2  }
0x1e: {  	s7 =	smul.u32 @!p0 $0xF7A, s2;
	p2 =	seq.s32 @!p0 s5, $0x0  }
0x1f: {  	s9 =	smul.u32 $0xF7A, s1;
	s8 =	simm.s32 @!p0 $0x1BF5;
	p2 =	por !p2, p0  }
0x20: {  	[sflag:s8] =	ssyncset.s32 @!p0 $0xFFFFF086;
	s6 =	sadd.s32 @!p0 s3, s7;
	s7 =	simm.s32 @!p0 $0x108  }
0x21: {  	s3 =	sadd.s32 s3, s9;
	s6 =	sadd.s32 @!p0 $0x88, s6;
	s7 =	simm.s32 @p2 $0x1082  }
0x22: {  	[simem:s7], [sflag:s8] =	dma.local @!p0 [hbm:s6], $0xF7A  }
0x23: {  	s9 =	sor.u32 $0xD0000000, s2;
	s6 =	simm.s32 $0x108;
	_ =	swait.ge @!p0 [sflag:s8], $0x0  }
0x24: {  	s3 =	sadd.s32 $0x88, s3;
	s6 =	simm.s32 @!p1 $0x1082;
	[sflag:s4] =	ssyncset.s32 $0xFFFFF086  }
0x25: {  	[simem:s6], [sflag:s4] =	dma.local [hbm:s3], $0xF7A  }
0x26: {  	[smem:$0x3F8E] =	sst s1;
	(tag) =	ssettag s2;
	_ =	strace s9  }
0x27: {  	s1 =	sld [smem:$0x3F9E]  }
0x28: {  	s2 =	sld [smem:$0x3F9F]  }
0x29: {  	s4 =	sld [smem:$0x3FA1]  }
0x2a: {  	p0 =	seq.s32 s5, $0x0;
	s5 =	sld [smem:$0x3FA2]  }
0x2b: {  	s6 =	sld [smem:$0x3FA3]  }
0x2c: {  	s7 =	sld [smem:$0x3FA4]  }
0x2d: {  	s3 =	simm.s32 $0x108;
	s8 =	sld [smem:$0x3FA5]  }
0x2e: {  	s3 =	simm.s32 @!p0 $0x1082;
	s9 =	sld [smem:$0x3FA6]  }
0x2f: {  	lr =	sadd.s32 s0, s3;
	s0 =	sld [smem:$0x3F9D]  }
0x30: {  	s3 =	sld [smem:$0x3FA0]  }
0x31: {  	[smem:$0x3FA9] =	sst s10  }
0x32: {  	s10 =	sld [smem:$0x3FA7];
	_ =	sdelay $0x3  }
0x33: {  	p0 =	seq.s32 s10, $0x1;
	s10 =	sld [smem:$0x3FA9];
	_ =	sdelay $0x3  }
0x34: {  	[smem:$0x3FA9] =	sst s10  }
0x35: {  	s10 =	sld [smem:$0x3FA8];
	_ =	sdelay $0x3  }
0x36: {  	p1 =	seq.s32 s10, $0x1;
	s10 =	sld [smem:$0x3FA9];
	_ =	sdelay $0x3  }
0x37: {  	[smem:$0x3FA9] =	sst s10  }
0x38: {  	s10 =	sld [smem:$0x3FAA]  }
0x39: {  	_ = 	snop;
	(pc) =	sbr.ind lr, $3  }
0x3a: {  	_ = 	snop  }
0x3b: {  	_ = 	snop  }
0x3c: {  	p2 =	seq.s32 s10, $0x1;
	s10 =	sld [smem:$0x3FA9]  }
0x3d: {  	_ =	shalt  }
0x3e: {  	_ =	shalt  }
0x3f: {  	_ =	shalt  }
0x40: {  	_ =	shalt  }
0x41: {  	_ =	shalt  }
0x42: {  	_ =	shalt  }
0x43: {  	_ =	shalt  }
0x44: {  	_ =	shalt  }
0x45: {  	_ =	shalt  }
0x46: {  	_ =	shalt  }
0x47: {  	_ =	shalt  }
0x48: {  	_ =	shalt  }
0x49: {  	_ =	shalt  }
0x4a: {  	_ =	shalt  }
0x4b: {  	_ =	shalt  }
0x4c: {  	_ =	shalt  }
0x4d: {  	_ =	shalt  }
0x4e: {  	_ =	shalt  }
0x4f: {  	_ =	shalt  }
0x50: {  	_ =	shalt  }
0x51: {  	_ =	shalt  }
0x52: {  	_ =	shalt  }
0x53: {  	_ =	shalt  }
0x54: {  	_ =	shalt  }
0x55: {  	_ =	shalt  }
0x56: {  	_ =	shalt  }
0x57: {  	_ =	shalt  }
0x58: {  	_ =	shalt  }
0x59: {  	_ =	shalt  }
0x5a: {  	_ =	shalt  }
0x5b: {  	_ =	shalt  }
0x5c: {  	_ =	shalt  }
0x5d: {  	_ =	shalt  }
0x5e: {  	_ =	shalt  }
0x5f: {  	_ =	shalt  }
0x60: {  	_ =	shalt  }
0x61: {  	_ =	shalt  }
0x62: {  	_ =	shalt  }
0x63: {  	_ =	shalt  }
0x64: {  	_ =	shalt  }
0x65: {  	_ =	shalt  }
0x66: {  	_ =	shalt  }
0x67: {  	_ =	shalt  }
0x68: {  	_ =	shalt  }
0x69: {  	_ =	shalt  }
0x6a: {  	_ =	shalt  }
0x6b: {  	_ =	shalt  }
0x6c: {  	_ =	shalt  }
0x6d: {  	_ =	shalt  }
0x6e: {  	_ =	shalt  }
0x6f: {  	_ =	shalt  }
0x70: {  	_ =	shalt  }
0x71: {  	_ =	shalt  }
0x72: {  	_ =	shalt  }
0x73: {  	_ =	shalt  }
0x74: {  	_ =	shalt  }
0x75: {  	_ =	shalt  }
0x76: {  	_ =	shalt  }
0x77: {  	_ =	shalt  }
0x78: {  	_ =	shalt  }
0x79: {  	_ =	shalt  }
0x7a: {  	_ =	shalt  }
0x7b: {  	_ =	shalt  }
0x7c: {  	_ =	shalt  }
0x7d: {  	_ =	shalt  }
0x7e: {  	_ =	shalt  }
0x7f: {  	_ =	shalt  }
0x80: {  	_ =	shalt  }
0x81: {  	_ =	shalt  }
0x82: {  	_ =	shalt  }
0x83: {  	_ =	shalt  }
0x84: {  	_ =	shalt  }
0x85: {  	_ =	shalt  }
0x86: {  	_ =	shalt  }
0x87: {  	_ =	shalt  }
.Lfunc_end0:
.L_simem_size_0:
called_computation.2_lowered:
.L_overlay_start_0:
0x88: {  	s2 =	sld [smem:$0x3FD9]  }
0x89: {  	s3 =	sld [smem:$0x3FFE];
	_ =	sdelay $0x1  }
0x8a: {  	s1 =	srdreg.scid  }
0x8b: {  	s0 =	sand.u32 $0x1, s1  }
0x8c: {  	s17 =	sshll.u32 s0, $0xA;
	s2 =	sadd.s32 s3, s2  }
0x8d: {  	s2 =	sadd.s32 s2, s17  }
0x8e: {  	[smem:$0x3FB5] =	sst s2  }
0x8f: {  	_ = 	snop  }
0x90: {  	s2 =	sld [smem:$0x3FD0];
	(tm) =	ssettm $0x1  }
0x91: {  	s18 =	sld [smem:$0x3FFB];
	_ =	sdelay $0x3  }
0x92: {  	_ =	strace s18  }
0x93: {  	s3 =	sld [smem:$0x3FFC];
	_ =	sdelay $0x3  }
0x94: {  	_ =	strace s3  }
0x95: {  	s3 =	sld [smem:$0x3FFD];
	_ =	sdelay $0x3  }
0x96: {  	_ =	strace s3  }
0x97: {  	_ =	strace $0x8FFFFFFF  }
0x98: {  	s19 =	sld [smem:$0x3FDB];
	_ =	sdelay $0x1  }
0x99: {  	s4 =	simm.s32 $_scs_section_size  }
0x9a: {  	s5 =	simm.s32 $_size__tile_overlayer_lowered;
	s6 =	simm.s32 $_tile_overlayer_lowered  }
0x9b: {  	s22 =	simm.s32 $0x1BFF;
	s21 =	sshll.u32 s6, $0x1;
	s3 =	sadd.s32 s4, s19  }
0x9c: {  	s7 =	simm.s32 $0x0;
	s20 =	sshll.u32 s5, $0x1;
	s5 =	sadd.s32 s21, s3  }
0x9d: {  	[timem:s7], [sflag:s22] =	dma.local [hbm:s5], s20  }
0x9e: {  	_ =	swait.ge [sflag:s22], s20  }
0x9f: {  	s4 =	ssub.s32 $0x0, s20;
	[sflag:s22] =	ssyncset.done $0x0  }
0xa0: {  	[sflag:s22] =	ssyncadd.s32 s4;
	_ =	sdelay $0x1  }
0xa1: {  	s23 =	simm.s32 $0x1B8B  }
0xa2: {  	_ =	swait.ge [sflag:s23], $0x1  }
0xa3: {  	[sflag:s23] =	ssyncset.done $0x0  }
0xa4: {  	s25 =	simm.s32 $0x1B8E;
	s24 =	sld [smem:$0x3FFE];
	[sflag:s23] =	ssyncadd.s32 $0xFFFFFFFF  }
0xa5: {  	s26 =	simm.s32 $execute0_lowered;
	[smem:$0x3FD2] =	sst s25  }
0xa6: {  	s5 =	sshll.u32 s26, $0x1;
	_ =	strace $0x8000004C;
	[dreg:$0x1] =	wrdreg $0xFFFFFFFF  }
0xa7: {  	s28 =	simm.s32 $_size_execute0_lowered;
	s3 =	sadd.s32 s3, s5;
	[dreg:$0x0] =	wrdreg $0x0  }
0xa8: {  	s5 =	sshll.u32 s28, $0x1;
	[dreg:$0x2] =	wrdreg s3  }
0xa9: {  	[dreg:$0x3] =	wrdreg s5  }
0xaa: {  	[dreg:$0x4] =	wrdreg $0xC0  }
0xab: {  	_ =	task [dreg:s7], $0x5FFFF  }
0xac: {  	[dreg:$0x1] =	wrdreg $0xFFFFFFFF  }
0xad: {  	[dreg:$0x0] =	wrdreg $0x60  }
0xae: {  	[dreg:$0x2] =	wrdreg s2  }
0xaf: {  	[dreg:$0x3] =	wrdreg s24  }
0xb0: {  	[dreg:$0x4] =	wrdreg $0x9  }
0xb1: {  	_ =	task.clear_ibuf [dreg:s7], $0x5FFFF;
	_ =	strace $0x9000004C  }
0xb2: {  	s29 =	simm.s32 $0x9;
	_ =	strace $0x8000004E  }
0xb3: {  	_ =	swait.ge [sflag:s29], $0x1  }
0xb4: {  	[sflag:s29] =	ssyncadd.s32 $0xFFFFFFFF  }
0xb5: {  	_ =	strace $0x9000004E  }
0xb6: {  	_ =	sfence  }
0xb7: {  	s30 =	sld [smem:$0x0];
	_ =	sdelay $0x2  }
0xb8: {  	s31 =	sshll.u32 s1, $0xD;
	s1 =	sshrl.u32 s1, $0x2  }
0xb9: {  	s3 =	sand.u32 $0x4000, s31;
	s1 =	sadd.s32 s1, s30  }
0xba: {  	s0 =	sor.u32 s3, s0;
	s1 =	sshll.u32 s1, $0x11  }
0xbb: {  	s0 =	sor.u32 s1, s0  }
0xbc: {  	s0 =	sadd.s32 $0x8F2B, s0  }
0xbd: {  	[sflag:s0] =	ssyncadd.remote.s32 $0x1  }
0xbe: {  	_ =	sfence.sel $0xFFFF  }
0xbf: {  	[dreg:$0x0] =	wrdreg $0xFFFFFFFF;
	(pc) =	sbr.abs _section_cstart, $3  }
0xc0: {  	[dreg:$0x1] =	wrdreg $0xFFFFFFFF  }
0xc1: {  	_ =	task.clear_ibuf [dreg:s7], $0x2FFFF;
	_ =	strace $0x9FFFFFFF  }
0xc2: {  	(tm) =	ssettm $0x7FFFFFFF  }
0xc3: {  	_ =	shalt  }
tec
execute0_lowered:
.L_overlay_start_1:
0x0: {  	(tag) =	ssettag $0x1  }
0x1: {  	s1 =	rddreg [dreg:$0x0]  }
0x2: {  	s5 =	rddreg [dreg:$0x1];
	s2 =	srdreg.scid  }
0x3: {  	s0 =	rddreg [dreg:$0x2];
	s3 =	simm.s32 $0x0;
	s11 =	simm.s32 $0x1  }
0x4: {  	s12 =	simm.s32 $0x2;
	s13 =	simm.s32 $0x50;
	s14 =	simm.s32 $0x100  }
0x5: {  	s15 =	simm.s32 $0x2900;
	s16 =	simm.s32 $0x3;
	s6 =	sand.u32 $0x1, s2  }
0x6: {  	s17 =	simm.s32 $0x4;
	s2 =	stileid.u32;
	s7 =	smul.u32 $0x27100, s6  }
0x7: {  	s18 =	simm.s32 $0x0;
	[smem:$0x7FF] =	sst s3;
	s8 =	smul.u32 $0x2710, s2  }
0x8: {  	s4 =	sadd.s32 $0x67600, s5;
	s9 =	smul.u32 $0x271000, s6;
	s6 =	ssub.s32 $0x2, s6  }
0x9: {  	_ =	strace $0x8000004D;
	s10 =	smul.u32 $0x27100, s2;
	s30 =	sshrl.u32 s6, $0x1  }
0xa: {  	s7 =	sadd.s32 s8, s7;
	s29 =	sadd.s32 s9, s5;
	s6 =	ssub.s32 s6, s30  }
0xb: {  	s7 =	sshrl.u32 s7, $0x3;
	s8 =	sadd.s32 s10, s29;
	s10 =	simm.s32 $0x80  }
0xc: {  	s31 =	sadd.s32 s7, s5;
	s5 =	smax.u32 s6, $0x1;
	s6 =	sadd.s32 $0x8E800, s8  }
0xd: {  	s7 =	sadd.s32 $0x570800, s8;
	s8 =	sadd.s32 $0xF400, s31;
	s9 =	sadd.s32 $0x5600, s31  }
.LBB2_1:
0xe: {  	s19 =	sadd.s32 $0x0, s9  }
0xf: {  	[tilespmem:s3], [sflag:$0x1] =	stream.linear.gather [hbm4b:s19+s3], $0x50, $0x38;
	[tilespmem:$0x5100] =	vst v63  }
0x10: {  	s31 =	sadd.s32 $0x0, s8  }
0x11: {  	[tilespmem:s10], [sflag:$0x2] =	stream.linear.gather [hbm4b:s31+s3], $0x50, $0x38;
	[tilespmem:$0x5100] =	vst v63  }
0x12: {  	_ =	swait.ge [sflag:s11], $0x50  }
0x13: {  	[sflag:s11] =	ssyncset.done $0x0  }
0x14: {  	[sflag:s11] =	ssyncadd.s32 $0xFFFFFFB0  }
0x15: {  	_ =	swait.ge [sflag:s12], $0x50  }
0x16: {  	[sflag:s12] =	ssyncset.done $0x0  }
0x17: {  	[sflag:s12] =	ssyncadd.s32 $0xFFFFFFB0  }
0x18: {  	[tilespmem:s14], [sflag:$0x1] =	stream.indirect.gather [hbm4b:s1+s13], $0x80, s3, s13, $0xb8;
	[tilespmem:$0x5100] =	vst v63  }
0x19: {  	_ = 	snop  }
0x1a: {  	[tilespmem:s15], [sflag:$0x2] =	stream.indirect.gather [hbm4b:s4+s13], $0x80, s10, s13, $0xb8;
	[tilespmem:$0x5100] =	vst v63  }
0x1b: {  	_ =	swait.ge [sflag:s11], $0x2800  }
0x1c: {  	[sflag:s11] =	ssyncset.done $0x0  }
0x1d: {  	[sflag:s11] =	ssyncadd.s32 $0xFFFFD800  }
0x1e: {  	_ =	swait.ge [sflag:s12], $0x2800  }
0x1f: {  	[sflag:s12] =	ssyncset.done $0x0  }
0x20: {  	[sflag:s12] =	ssyncadd.s32 $0xFFFFD800  }
0x21: {  	[hbm4b:s6+s3] =	stream.linear.scatter [tilespmem:s14], [sflag:$0x3], $0x2800, $0x38;
	[tilespmem:$0x5100] =	vst v63  }
0x22: {  	_ = 	snop  }
0x23: {  	[hbm4b:s7+s3] =	stream.linear.scatter [tilespmem:s15], [sflag:$0x4], $0x2800, $0x38;
	[tilespmem:$0x5100] =	vst v63  }
0x24: {  	_ =	swait.ge [sflag:s16], $0x2800  }
0x25: {  	[sflag:s16] =	ssyncset.done $0x0  }
0x26: {  	[sflag:s16] =	ssyncadd.s32 $0xFFFFD800  }
0x27: {  	s21 =	simm.s32 $0xA;
	s22 =	simm.s32 $0x14;
	_ =	swait.ge [sflag:s17], $0x2800  }
0x28: {  	s20 =	sadd.s32 $0x500, s7;
	s19 =	sadd.s32 $0x500, s6;
	[sflag:s17] =	ssyncset.done $0x0  }
.LBB2_2:
0x29: {  	s23 =	sadd.s32 s21, s9  }
0x2a: {  	[sflag:s17] =	ssyncadd.s32 $0xFFFFD800;
	s24 =	smov.u32 s22;
	s25 =	sadd.s32 $0xA, s22  }
0x2b: {  	[tilespmem:s3], [sflag:$0x1] =	stream.linear.gather [hbm4b:s23+s3], $0x50, $0x38;
	[tilespmem:$0x5100] =	vst v63  }
0x2c: {  	p0 =	sne.s32 s22, $0x4D8;
	s22 =	sadd.s32 s21, s8;
	s21 =	smov.u32 s24  }
0x2d: {  	[tilespmem:s10], [sflag:$0x2] =	stream.linear.gather [hbm4b:s22+s3], $0x50, $0x38;
	[tilespmem:$0x5100] =	vst v63  }
0x2e: {  	_ =	swait.ge [sflag:s11], $0x50  }
0x2f: {  	[sflag:s11] =	ssyncset.done $0x0  }
0x30: {  	[sflag:s11] =	ssyncadd.s32 $0xFFFFFFB0  }
0x31: {  	_ =	swait.ge [sflag:s12], $0x50  }
0x32: {  	[sflag:s12] =	ssyncset.done $0x0  }
0x33: {  	[sflag:s12] =	ssyncadd.s32 $0xFFFFFFB0  }
0x34: {  	[tilespmem:s14], [sflag:$0x1] =	stream.indirect.gather [hbm4b:s1+s13], $0x80, s3, s13, $0xb8;
	[tilespmem:$0x5100] =	vst v63  }
0x35: {  	_ = 	snop  }
0x36: {  	[tilespmem:s15], [sflag:$0x2] =	stream.indirect.gather [hbm4b:s4+s13], $0x80, s10, s13, $0xb8;
	[tilespmem:$0x5100] =	vst v63  }
0x37: {  	_ =	swait.ge [sflag:s11], $0x2800  }
0x38: {  	[sflag:s11] =	ssyncset.done $0x0  }
0x39: {  	[sflag:s11] =	ssyncadd.s32 $0xFFFFD800  }
0x3a: {  	_ =	swait.ge [sflag:s12], $0x2800  }
0x3b: {  	[sflag:s12] =	ssyncset.done $0x0  }
0x3c: {  	[sflag:s12] =	ssyncadd.s32 $0xFFFFD800  }
0x3d: {  	[hbm4b:s19+s3] =	stream.linear.scatter [tilespmem:s14], [sflag:$0x3], $0x2800, $0x38;
	[tilespmem:$0x5100] =	vst v63  }
0x3e: {  	_ = 	snop  }
0x3f: {  	[hbm4b:s20+s3] =	stream.linear.scatter [tilespmem:s15], [sflag:$0x4], $0x2800, $0x38;
	[tilespmem:$0x5100] =	vst v63  }
.Ltmp0:
0x40: {  	_ =	swait.ge [sflag:s16], $0x2800;
	(pc) =	sbr.rel @p0 .LBB2_2-.Ltmp0, $4  }
0x41: {  	[sflag:s16] =	ssyncset.done $0x0  }
0x42: {  	[sflag:s16] =	ssyncadd.s32 $0xFFFFD800  }
0x43: {  	s22 =	smov.u32 s25;
	_ =	swait.ge [sflag:s17], $0x2800  }
0x44: {  	s19 =	sadd.s32 $0x500, s19;
	s20 =	sadd.s32 $0x500, s20;
	[sflag:s17] =	ssyncset.done $0x0  }
0x45: {  	s22 =	sadd.s32 s21, s9;
	[sflag:s17] =	ssyncadd.s32 $0xFFFFD800  }
0x46: {  	[tilespmem:s3], [sflag:$0x1] =	stream.linear.gather [hbm4b:s22+s3], $0x50, $0x38;
	[tilespmem:$0x5100] =	vst v63  }
0x47: {  	s31 =	sadd.s32 s21, s8  }
0x48: {  	[tilespmem:s10], [sflag:$0x2] =	stream.linear.gather [hbm4b:s31+s3], $0x50, $0x38;
	[tilespmem:$0x5100] =	vst v63  }
0x49: {  	_ =	swait.ge [sflag:s11], $0x50  }
0x4a: {  	[sflag:s11] =	ssyncset.done $0x0  }
0x4b: {  	[sflag:s11] =	ssyncadd.s32 $0xFFFFFFB0  }
0x4c: {  	_ =	swait.ge [sflag:s12], $0x50  }
0x4d: {  	[sflag:s12] =	ssyncset.done $0x0  }
0x4e: {  	[sflag:s12] =	ssyncadd.s32 $0xFFFFFFB0  }
0x4f: {  	[tilespmem:s14], [sflag:$0x1] =	stream.indirect.gather [hbm4b:s1+s13], $0x80, s3, s13, $0xb8;
	[tilespmem:$0x5100] =	vst v63  }
0x50: {  	_ = 	snop  }
0x51: {  	[tilespmem:s15], [sflag:$0x2] =	stream.indirect.gather [hbm4b:s4+s13], $0x80, s10, s13, $0xb8;
	[tilespmem:$0x5100] =	vst v63  }
0x52: {  	_ =	swait.ge [sflag:s11], $0x2800  }
0x53: {  	[sflag:s11] =	ssyncset.done $0x0  }
0x54: {  	[sflag:s11] =	ssyncadd.s32 $0xFFFFD800  }
0x55: {  	_ =	swait.ge [sflag:s12], $0x2800  }
0x56: {  	[sflag:s12] =	ssyncset.done $0x0  }
0x57: {  	[sflag:s12] =	ssyncadd.s32 $0xFFFFD800  }
0x58: {  	[hbm4b:s19+s3] =	stream.linear.scatter [tilespmem:s14], [sflag:$0x3], $0x2800, $0x38;
	[tilespmem:$0x5100] =	vst v63  }
0x59: {  	s18 =	sadd.s32 $0x1, s18  }
0x5a: {  	[hbm4b:s20+s3] =	stream.linear.scatter [tilespmem:s15], [sflag:$0x4], $0x2800, $0x38;
	[tilespmem:$0x5100] =	vst v63  }
0x5b: {  	p0 =	sne.s32 s18, s5;
	_ =	swait.ge [sflag:s16], $0x2800  }
.Ltmp1:
0x5c: {  	[sflag:s16] =	ssyncset.done $0x0;
	(pc) =	sbr.rel @p0 .LBB2_1-.Ltmp1, $4  }
0x5d: {  	[sflag:s16] =	ssyncadd.s32 $0xFFFFD800  }
0x5e: {  	_ =	swait.ge [sflag:s17], $0x2800  }
0x5f: {  	[sflag:s17] =	ssyncset.done $0x0  }
0x60: {  	[sflag:s17] =	ssyncadd.s32 $0xFFFFD800  }
0x61: {  	_ =	sfence.sel $0x180000  }
0x62: {  	[bflag:$0x0] =	sbarrier.arrive $0xFFFF  }
0x63: {  	p0 =	sne.s32 s2, $0x0;
	_ =	strace $0x9000004D  }
0x64: {  	s0 =	sadd.s32 @!p0 $0x100000, s0;
	[bflag:$0x2] =	sbarrier.arrive $0xFFFF  }
0x65: {  	[sflag:s0] =	ssyncadd.tile.s32 @!p0 $0x1;
	_ =	shalt  }
.Lfunc_end2:
_tile_overlayer_lowered:
.L_overlay_start_2:
0x66: {  	(tag) =	ssettag $0x2  }
0x67: {  	s0 =	rddreg [dreg:$0x0];
	s2 =	stileid.u32  }
0x68: {  	s1 =	rddreg [dreg:$0x1];
	p0 =	sne.s32 s2, $0x0  }
0x69: {  	s3 =	rddreg [dreg:$0x2];
	[bflag:$0x3] =	sbarrier.arrive $0xFFFF;
	s2 =	simm.s32 @!p0 $0x1C05  }
0x6a: {  	[timem:s3], [sflag:s2] =	dma.local @!p0 [hbm:s0], s1  }
0x6b: {  	s0 =	simm.s32 @!p0 $0x5  }
0x6c: {  	_ =	swait.ge @!p0 [sflag:s0], s1  }
0x6d: {  	s1 =	ssub.s32 @!p0 $0x0, s1;
	[sflag:s0] =	ssyncset.done @!p0 $0x0  }
0x6e: {  	[sflag:s0] =	ssyncadd.s32 @!p0 s1  }
0x6f: {  	[bflag:$0x3] =	sbarrier.arrive $0xFFFF  }
0x70: {  	_ =	shalt  }

// kernel: kernel.21.cloned.1.call-start
scs
__scs_entry_jumppad:
0x0: {  	(pc) =	sbr.rel $0x88, $3  }
0x1: {  	(tag) =	ssettag $0x0;
	lr =	simm.s32 $0x1  }
0x2: {  	[smem:$0x3F8E] =	sst lr;
	_ =	strace $0xD0000000  }
0x3: {  	_ = 	snop  }
0x4: {  	_ = 	snop  }
0x5: {  	_ = 	snop  }
0x6: {  	_ = 	snop  }
0x7: {  	_ = 	snop  }
__scs_overlays_trampoline_lowered:
0x8: {  	[smem:$0x3F9D] =	sst s0  }
0x9: {  	[smem:$0x3F9E] =	sst s1  }
0xa: {  	[smem:$0x3F9F] =	sst s2  }
0xb: {  	[smem:$0x3FA0] =	sst s3  }
0xc: {  	[smem:$0x3FA1] =	sst s4  }
0xd: {  	[smem:$0x3FA2] =	sst s5  }
0xe: {  	[smem:$0x3FA3] =	sst s6  }
0xf: {  	[smem:$0x3FA4] =	sst s7  }
0x10: {  	[smem:$0x3FA5] =	sst s8  }
0x11: {  	[smem:$0x3FA6] =	sst s9;
	s0 =	simm.s32 @!p0 $0x0  }
0x12: {  	s1 =	sld [smem:$0x3F8C];
	s0 =	simm.s32 @p0 $0x1  }
0x13: {  	[smem:$0x3FA7] =	sst s0;
	s0 =	simm.s32 @!p1 $0x0  }
0x14: {  	s2 =	sld [smem:$0x3F8B];
	s0 =	simm.s32 @p1 $0x1  }
0x15: {  	[smem:$0x3FA8] =	sst s0;
	s0 =	simm.s32 @!p2 $0x0  }
0x16: {  	s3 =	sld [smem:$0x3FDB];
	s0 =	simm.s32 @p2 $0x1  }
0x17: {  	s4 =	simm.s32 $0x1BF5;
	[smem:$0x3FAA] =	sst s0  }
0x18: {  	s0 =	sld [smem:$0x3F8D];
	_ =	swait.ge [sflag:s4], $0x0  }
0x19: {  	s7 =	sld [smem:$0x3F8E]  }
0x1a: {  	s8 =	sadd.s32 $0xFFFFE003, lr  }
0x1b: {  	s9 =	sadd.s32 $0xFFFFFEF7, lr;
	s5 =	simm.s32 $0xFFFFFFFF;
	p2 =	slt.u32 s8, $0xFFFFF086  }
0x1c: {  	p1 =	slt.u32 s9, $0xF7A;
	s5 =	simm.s32 @!p2 $0x0  }
0x1d: {  	s5 =	simm.s32 @p1 $0x1;
	p0 =	seq.s32 s7, s2  }
0x1e: {  	s7 =	smul.u32 @!p0 $0xF7A, s2;
	p2 =	seq.s32 @!p0 s5, $0x0  }
0x1f: {  	s9 =	smul.u32 $0xF7A, s1;
	s8 =	simm.s32 @!p0 $0x1BF5;
	p2 =	por !p2, p0  }
0x20: {  	[sflag:s8] =	ssyncset.s32 @!p0 $0xFFFFF086;
	s6 =	sadd.s32 @!p0 s3, s7;
	s7 =	simm.s32 @!p0 $0x108  }
0x21: {  	s3 =	sadd.s32 s3, s9;
	s6 =	sadd.s32 @!p0 $0x88, s6;
	s7 =	simm.s32 @p2 $0x1082  }
0x22: {  	[simem:s7], [sflag:s8] =	dma.local @!p0 [hbm:s6], $0xF7A  }
0x23: {  	s9 =	sor.u32 $0xD0000000, s2;
	s6 =	simm.s32 $0x108;
	_ =	swait.ge @!p0 [sflag:s8], $0x0  }
0x24: {  	s3 =	sadd.s32 $0x88, s3;
	s6 =	simm.s32 @!p1 $0x1082;
	[sflag:s4] =	ssyncset.s32 $0xFFFFF086  }
0x25: {  	[simem:s6], [sflag:s4] =	dma.local [hbm:s3], $0xF7A  }
0x26: {  	[smem:$0x3F8E] =	sst s1;
	(tag) =	ssettag s2;
	_ =	strace s9  }
0x27: {  	s1 =	sld [smem:$0x3F9E]  }
0x28: {  	s2 =	sld [smem:$0x3F9F]  }
0x29: {  	s4 =	sld [smem:$0x3FA1]  }
0x2a: {  	p0 =	seq.s32 s5, $0x0;
	s5 =	sld [smem:$0x3FA2]  }
0x2b: {  	s6 =	sld [smem:$0x3FA3]  }
0x2c: {  	s7 =	sld [smem:$0x3FA4]  }
0x2d: {  	s3 =	simm.s32 $0x108;
	s8 =	sld [smem:$0x3FA5]  }
0x2e: {  	s3 =	simm.s32 @!p0 $0x1082;
	s9 =	sld [smem:$0x3FA6]  }
0x2f: {  	lr =	sadd.s32 s0, s3;
	s0 =	sld [smem:$0x3F9D]  }
0x30: {  	s3 =	sld [smem:$0x3FA0]  }
0x31: {  	[smem:$0x3FA9] =	sst s10  }
0x32: {  	s10 =	sld [smem:$0x3FA7];
	_ =	sdelay $0x3  }
0x33: {  	p0 =	seq.s32 s10, $0x1;
	s10 =	sld [smem:$0x3FA9];
	_ =	sdelay $0x3  }
0x34: {  	[smem:$0x3FA9] =	sst s10  }
0x35: {  	s10 =	sld [smem:$0x3FA8];
	_ =	sdelay $0x3  }
0x36: {  	p1 =	seq.s32 s10, $0x1;
	s10 =	sld [smem:$0x3FA9];
	_ =	sdelay $0x3  }
0x37: {  	[smem:$0x3FA9] =	sst s10  }
0x38: {  	s10 =	sld [smem:$0x3FAA]  }
0x39: {  	_ = 	snop;
	(pc) =	sbr.ind lr, $3  }
0x3a: {  	_ = 	snop  }
0x3b: {  	_ = 	snop  }
0x3c: {  	p2 =	seq.s32 s10, $0x1;
	s10 =	sld [smem:$0x3FA9]  }
0x3d: {  	_ =	shalt  }
0x3e: {  	_ =	shalt  }
0x3f: {  	_ =	shalt  }
0x40: {  	_ =	shalt  }
0x41: {  	_ =	shalt  }
0x42: {  	_ =	shalt  }
0x43: {  	_ =	shalt  }
0x44: {  	_ =	shalt  }
0x45: {  	_ =	shalt  }
0x46: {  	_ =	shalt  }
0x47: {  	_ =	shalt  }
0x48: {  	_ =	shalt  }
0x49: {  	_ =	shalt  }
0x4a: {  	_ =	shalt  }
0x4b: {  	_ =	shalt  }
0x4c: {  	_ =	shalt  }
0x4d: {  	_ =	shalt  }
0x4e: {  	_ =	shalt  }
0x4f: {  	_ =	shalt  }
0x50: {  	_ =	shalt  }
0x51: {  	_ =	shalt  }
0x52: {  	_ =	shalt  }
0x53: {  	_ =	shalt  }
0x54: {  	_ =	shalt  }
0x55: {  	_ =	shalt  }
0x56: {  	_ =	shalt  }
0x57: {  	_ =	shalt  }
0x58: {  	_ =	shalt  }
0x59: {  	_ =	shalt  }
0x5a: {  	_ =	shalt  }
0x5b: {  	_ =	shalt  }
0x5c: {  	_ =	shalt  }
0x5d: {  	_ =	shalt  }
0x5e: {  	_ =	shalt  }
0x5f: {  	_ =	shalt  }
0x60: {  	_ =	shalt  }
0x61: {  	_ =	shalt  }
0x62: {  	_ =	shalt  }
0x63: {  	_ =	shalt  }
0x64: {  	_ =	shalt  }
0x65: {  	_ =	shalt  }
0x66: {  	_ =	shalt  }
0x67: {  	_ =	shalt  }
0x68: {  	_ =	shalt  }
0x69: {  	_ =	shalt  }
0x6a: {  	_ =	shalt  }
0x6b: {  	_ =	shalt  }
0x6c: {  	_ =	shalt  }
0x6d: {  	_ =	shalt  }
0x6e: {  	_ =	shalt  }
0x6f: {  	_ =	shalt  }
0x70: {  	_ =	shalt  }
0x71: {  	_ =	shalt  }
0x72: {  	_ =	shalt  }
0x73: {  	_ =	shalt  }
0x74: {  	_ =	shalt  }
0x75: {  	_ =	shalt  }
0x76: {  	_ =	shalt  }
0x77: {  	_ =	shalt  }
0x78: {  	_ =	shalt  }
0x79: {  	_ =	shalt  }
0x7a: {  	_ =	shalt  }
0x7b: {  	_ =	shalt  }
0x7c: {  	_ =	shalt  }
0x7d: {  	_ =	shalt  }
0x7e: {  	_ =	shalt  }
0x7f: {  	_ =	shalt  }
0x80: {  	_ =	shalt  }
0x81: {  	_ =	shalt  }
0x82: {  	_ =	shalt  }
0x83: {  	_ =	shalt  }
0x84: {  	_ =	shalt  }
0x85: {  	_ =	shalt  }
0x86: {  	_ =	shalt  }
0x87: {  	_ =	shalt  }
.Lfunc_end0:
.L_simem_size_0:
called_computation.3_lowered:
.L_overlay_start_0:
0x88: {  	s2 =	sld [smem:$0x3FD9]  }
0x89: {  	s3 =	sld [smem:$0x3FFE];
	_ =	sdelay $0x1  }
0x8a: {  	s1 =	srdreg.scid  }
0x8b: {  	s0 =	sand.u32 $0x1, s1  }
0x8c: {  	s17 =	sshll.u32 s0, $0xA;
	s2 =	sadd.s32 s3, s2  }
0x8d: {  	s2 =	sadd.s32 s2, s17  }
0x8e: {  	[smem:$0x3FB5] =	sst s2  }
0x8f: {  	_ = 	snop  }
0x90: {  	s2 =	sld [smem:$0x3FD0];
	(tm) =	ssettm $0x1  }
0x91: {  	s18 =	sld [smem:$0x3FFB];
	_ =	sdelay $0x3  }
0x92: {  	_ =	strace s18  }
0x93: {  	s3 =	sld [smem:$0x3FFC];
	_ =	sdelay $0x3  }
0x94: {  	_ =	strace s3  }
0x95: {  	s3 =	sld [smem:$0x3FFD];
	_ =	sdelay $0x3  }
0x96: {  	_ =	strace s3  }
0x97: {  	_ =	strace $0x8FFFFFFF  }
0x98: {  	s19 =	sld [smem:$0x3FDB];
	_ =	sdelay $0x1  }
0x99: {  	s4 =	simm.s32 $_scs_section_size  }
0x9a: {  	s5 =	simm.s32 $_size__tile_overlayer_lowered;
	s6 =	simm.s32 $_tile_overlayer_lowered  }
0x9b: {  	s22 =	simm.s32 $0x1BFF;
	s21 =	sshll.u32 s6, $0x1;
	s3 =	sadd.s32 s4, s19  }
0x9c: {  	s7 =	simm.s32 $0x0;
	s20 =	sshll.u32 s5, $0x1;
	s5 =	sadd.s32 s21, s3  }
0x9d: {  	[timem:s7], [sflag:s22] =	dma.local [hbm:s5], s20  }
0x9e: {  	_ =	swait.ge [sflag:s22], s20  }
0x9f: {  	s4 =	ssub.s32 $0x0, s20;
	[sflag:s22] =	ssyncset.done $0x0  }
0xa0: {  	[sflag:s22] =	ssyncadd.s32 s4;
	_ =	sdelay $0x1  }
0xa1: {  	s23 =	simm.s32 $0x1B8B  }
0xa2: {  	_ =	swait.ge [sflag:s23], $0x1  }
0xa3: {  	[sflag:s23] =	ssyncset.done $0x0  }
0xa4: {  	s25 =	simm.s32 $0x1B8E;
	s24 =	sld [smem:$0x3FFE];
	[sflag:s23] =	ssyncadd.s32 $0xFFFFFFFF  }
0xa5: {  	s26 =	simm.s32 $execute0_lowered;
	[smem:$0x3FD2] =	sst s25  }
0xa6: {  	s5 =	sshll.u32 s26, $0x1;
	_ =	strace $0x8000004F;
	[dreg:$0x1] =	wrdreg $0xFFFFFFFF  }
0xa7: {  	s28 =	simm.s32 $_size_execute0_lowered;
	s3 =	sadd.s32 s3, s5;
	[dreg:$0x0] =	wrdreg $0x0  }
0xa8: {  	s5 =	sshll.u32 s28, $0x1;
	[dreg:$0x2] =	wrdreg s3  }
0xa9: {  	[dreg:$0x3] =	wrdreg s5  }
0xaa: {  	[dreg:$0x4] =	wrdreg $0xC0  }
0xab: {  	_ =	task [dreg:s7], $0x5FFFF  }
0xac: {  	[dreg:$0x1] =	wrdreg $0xFFFFFFFF  }
0xad: {  	[dreg:$0x0] =	wrdreg $0x60  }
0xae: {  	[dreg:$0x2] =	wrdreg s24  }
0xaf: {  	[dreg:$0x3] =	wrdreg s2  }
0xb0: {  	[dreg:$0x4] =	wrdreg $0x0  }
0xb1: {  	[dreg:$0x5] =	wrdreg $0x9  }
0xb2: {  	_ =	task.clear_ibuf [dreg:s7], $0x6FFFF;
	_ =	strace $0x9000004F  }
0xb3: {  	s29 =	simm.s32 $0x9;
	_ =	strace $0x80000051  }
0xb4: {  	_ =	swait.ge [sflag:s29], $0x1  }
0xb5: {  	[sflag:s29] =	ssyncadd.s32 $0xFFFFFFFF  }
0xb6: {  	_ =	strace $0x90000051  }
0xb7: {  	_ =	sfence  }
0xb8: {  	s30 =	sld [smem:$0x0];
	_ =	sdelay $0x2  }
0xb9: {  	s31 =	sshll.u32 s1, $0xD;
	s1 =	sshrl.u32 s1, $0x2  }
0xba: {  	s3 =	sand.u32 $0x4000, s31;
	s1 =	sadd.s32 s1, s30  }
0xbb: {  	s0 =	sor.u32 s3, s0;
	s1 =	sshll.u32 s1, $0x11  }
0xbc: {  	s0 =	sor.u32 s1, s0  }
0xbd: {  	s0 =	sadd.s32 $0x8F2B, s0  }
0xbe: {  	[sflag:s0] =	ssyncadd.remote.s32 $0x1  }
0xbf: {  	_ =	sfence.sel $0xFFFF  }
0xc0: {  	[dreg:$0x0] =	wrdreg $0xFFFFFFFF;
	(pc) =	sbr.abs _section_cstart, $3  }
0xc1: {  	[dreg:$0x1] =	wrdreg $0xFFFFFFFF  }
0xc2: {  	_ =	task.clear_ibuf [dreg:s7], $0x2FFFF;
	_ =	strace $0x9FFFFFFF  }
0xc3: {  	(tm) =	ssettm $0x7FFFFFFF  }
tec
execute0_lowered:
.L_overlay_start_1:
0x0: {  	(tag) =	ssettag $0x1  }
0x1: {  	s6 =	rddreg [dreg:$0x0]  }
0x2: {  	s2 =	rddreg [dreg:$0x1]  }
0x3: {  	s3 =	rddreg [dreg:$0x2]  }
0x4: {  	s0 =	rddreg [dreg:$0x3];
	s4 =	simm.s32 $0x0  }
0x5: {  	s1 =	stileid.u32;
	s8 =	srdreg.scid;
	s15 =	simm.s32 $0x13900  }
0x6: {  	s16 =	simm.s32 $0x1;
	s17 =	simm.s32 $0x2;
	s18 =	simm.s32 $0x50  }
0x7: {  	s19 =	simm.s32 $0x3;
	s22 =	simm.s32 $0x0;
	s5 =	smul.u32 $0x4E200, s1  }
0x8: {  	[smem:$0x7FF] =	sst s4;
	s7 =	smul.u32 $0x9C4, s1;
	s14 =	sand.u32 $0x1, s8  }
0x9: {  	s30 =	smul.u32 $0x7D000, s1;
	p0 =	sgt.u32 s1, $0x9;
	s20 =	sshll.u32 s1, $0x6  }
0xa: {  	p2 =	slt.u32 s1, $0xA;
	_ =	strace $0x80000050;
	s31 =	ssub.s32 $0x2, s14  }
0xb: {  	s12 =	sshll.u32 @!p0 s1, $0x6;
	p1 =	sne.s32 s14, $0x0;
	s14 =	simm.s32 $0x13880  }
0xc: {  	s20 =	sor.u32 $0x1C01, s20;
	s11 =	sadd.s32 s5, s6;
	s10 =	sadd.s32 s7, s6  }
.Ltmp0:
0xd: {  	s5 =	sadd.s32 $0x19200, s6;
	s9 =	sshrl.u32 s31, $0x1;
	(pc) =	sbr.rel .LBB2_1-.Ltmp0, $4  }
0xe: {  	s8 =	sshrl.u32 s30, $0x2;
	s6 =	sadd.s32 $0x67600, s6;
	s7 =	smul.u32 $0x3E80, s1  }
0xf: {  	s12 =	sor.u32 @!p0 $0x1C01, s12;
	s9 =	ssub.s32 s31, s9;
	s21 =	sadd.s32 s8, s3  }
0x10: {  	s10 =	sadd.s32 $0xF400, s10;
	s8 =	smax.u32 s9, $0x1;
	s9 =	sadd.s32 $0xF34800, s11  }
0x11: {  	s11 =	sadd.s32 $0xA52800, s11;
	s13 =	sshrl.u32 @!p0 s21, $0x3;
	s21 =	sshrl.u32 s21, $0x3  }
.LBB2_8:
0x12: {  	s23 =	sadd.s32 s23, s7  }
0x13: {  	[hbm:s23], [sflag:s20] =	dma.local [spmem:s21], $0x3E80  }
0x14: {  	_ =	swait.ge [sflag:s16], $0x3E80  }
0x15: {  	[sflag:s16] =	ssyncset.done $0x0  }
0x16: {  	[sflag:s16] =	ssyncadd.s32 $0xFFFFC180  }
.LBB2_9:
0x17: {  	s22 =	sadd.s32 $0x1, s22  }
0x18: {  	p3 =	sne.s32 s22, s8  }
.Ltmp1:
0x19: {  	_ = 	snop;
	(pc) =	sbr.rel @!p3 .LBB2_10-.Ltmp1, $1  }
0x1a: {  	_ =	sdelay $0x3  }
.LBB2_1:
0x1b: {  	[spmem:s13], [sflag:s12] =	dma.local @!p0 [hbm:s5], $0x3E80  }
0x1c: {  	s23 =	simm.s32 @!p0 $0x1  }
.Ltmp2:
0x1d: {  	_ =	swait.ge @!p0 [sflag:s23], $0x3E80;
	(pc) =	sbr.rel @p1 .LBB2_5-.Ltmp2, $4  }
0x1e: {  	[sflag:s23] =	ssyncset.done @!p0 $0x0  }
0x1f: {  	[sflag:s23] =	ssyncadd.s32 @!p0 $0xFFFFC180  }
0x20: {  	[bflag:$0x0] =	sbarrier.arrive $0xFFFF  }
0x21: {  	s23 =	sadd.s32 $0x0, s10  }
0x22: {  	[tilespmem:s14], [sflag:$0x1] =	stream.linear.gather [hbm4b:s23+s4], $0x50, $0x38;
	[tilespmem:$0x16100] =	vst v63  }
0x23: {  	_ = 	snop  }
0x24: {  	[tilespmem:s15], [sflag:$0x2] =	stream.linear.gather [hbm4b:s11+s4], $0x2800, $0x38;
	[tilespmem:$0x16100] =	vst v63  }
0x25: {  	_ =	swait.ge [sflag:s16], $0x50  }
0x26: {  	[sflag:s16] =	ssyncset.done $0x0  }
0x27: {  	[sflag:s16] =	ssyncadd.s32 $0xFFFFFFB0  }
0x28: {  	_ =	swait.ge [sflag:s17], $0x2800  }
0x29: {  	[sflag:s17] =	ssyncset.done $0x0  }
0x2a: {  	[sflag:s17] =	ssyncadd.s32 $0xFFFFD800  }
0x2b: {  	[spmem:s3] =	stream.indirect.scatter.add.f32 [tilespmem:s15], [sflag:$0x3], $0x80, s14, s18, $0xb8;
	[tilespmem:$0x16100] =	vst v63  }
0x2c: {  	s24 =	simm.s32 $0xA;
	_ =	swait.ge [sflag:s19], $0x2800  }
0x2d: {  	s25 =	simm.s32 $0x14;
	s23 =	sadd.s32 $0x500, s11;
	[sflag:s19] =	ssyncset.done $0x0  }
.LBB2_3:
0x2e: {  	s26 =	sadd.s32 s24, s10  }
0x2f: {  	[sflag:s19] =	ssyncadd.s32 $0xFFFFD800;
	s24 =	smov.u32 s25;
	s28 =	sadd.s32 $0xA, s25  }
0x30: {  	[tilespmem:s14], [sflag:$0x1] =	stream.linear.gather [hbm4b:s26+s4], $0x50, $0x38;
	[tilespmem:$0x16100] =	vst v63  }
0x31: {  	p3 =	seq.s32 s25, $0x9BA  }
0x32: {  	[tilespmem:s15], [sflag:$0x2] =	stream.linear.gather [hbm4b:s23+s4], $0x2800, $0x38;
	[tilespmem:$0x16100] =	vst v63  }
0x33: {  	_ =	swait.ge [sflag:s16], $0x50  }
0x34: {  	[sflag:s16] =	ssyncset.done $0x0  }
0x35: {  	[sflag:s16] =	ssyncadd.s32 $0xFFFFFFB0  }
0x36: {  	_ =	swait.ge [sflag:s17], $0x2800  }
.Ltmp3:
0x37: {  	[sflag:s17] =	ssyncset.done $0x0;
	(pc) =	sbr.rel @!p3 .LBB2_3-.Ltmp3, $4  }
0x38: {  	[sflag:s17] =	ssyncadd.s32 $0xFFFFD800  }
0x39: {  	[spmem:s3] =	stream.indirect.scatter.add.f32 [tilespmem:s15], [sflag:$0x3], $0x80, s14, s18, $0xb8;
	[tilespmem:$0x16100] =	vst v63  }
0x3a: {  	_ =	swait.ge [sflag:s19], $0x2800  }
0x3b: {  	s25 =	smov.u32 s28;
	s23 =	sadd.s32 $0x500, s23;
	[sflag:s19] =	ssyncset.done $0x0  }
0x3c: {  	s24 =	sadd.s32 s24, s10;
	[sflag:s19] =	ssyncadd.s32 $0xFFFFD800  }
0x3d: {  	[tilespmem:s14], [sflag:$0x1] =	stream.linear.gather [hbm4b:s24+s4], $0x50, $0x38;
	[tilespmem:$0x16100] =	vst v63  }
0x3e: {  	_ = 	snop  }
0x3f: {  	[tilespmem:s15], [sflag:$0x2] =	stream.linear.gather [hbm4b:s23+s4], $0x2800, $0x38;
	[tilespmem:$0x16100] =	vst v63  }
0x40: {  	_ =	swait.ge [sflag:s16], $0x50  }
0x41: {  	[sflag:s16] =	ssyncset.done $0x0  }
0x42: {  	[sflag:s16] =	ssyncadd.s32 $0xFFFFFFB0  }
0x43: {  	_ =	swait.ge [sflag:s17], $0x2800  }
0x44: {  	[sflag:s17] =	ssyncset.done $0x0  }
0x45: {  	[sflag:s17] =	ssyncadd.s32 $0xFFFFD800  }
0x46: {  	[spmem:s3] =	stream.indirect.scatter.add.f32 [tilespmem:s15], [sflag:$0x3], $0x80, s14, s18, $0xb8;
	[tilespmem:$0x16100] =	vst v63  }
.Ltmp4:
0x47: {  	_ =	swait.ge [sflag:s19], $0x2800;
	(pc) =	sbr.rel @p0 .LBB2_9-.Ltmp4, $4  }
.Ltmp5:
0x48: {  	[sflag:s19] =	ssyncset.done $0x0;
	(pc) =	sbr.rel @!p0 .LBB2_8-.Ltmp5, $4  }
0x49: {  	[sflag:s19] =	ssyncadd.s32 $0xFFFFD800  }
0x4a: {  	[bflag:$0x0] =	sbarrier.arrive $0xFFFF  }
0x4b: {  	s23 =	smov.u32 s2  }
0x4c: {  	_ = 	snop  }
.LBB2_5:
0x4d: {  	[tilespmem:s14], [sflag:$0x1] =	stream.linear.gather [hbm4b:s23+s4], $0x50, $0x38;
	[tilespmem:$0x16100] =	vst v63  }
0x4e: {  	_ = 	snop  }
0x4f: {  	[tilespmem:s15], [sflag:$0x2] =	stream.linear.gather [hbm4b:s9+s4], $0x2800, $0x38;
	[tilespmem:$0x16100] =	vst v63  }
0x50: {  	_ =	swait.ge [sflag:s16], $0x50  }
0x51: {  	[sflag:s16] =	ssyncset.done $0x0  }
0x52: {  	[sflag:s16] =	ssyncadd.s32 $0xFFFFFFB0  }
0x53: {  	_ =	swait.ge [sflag:s17], $0x2800  }
0x54: {  	[sflag:s17] =	ssyncset.done $0x0  }
0x55: {  	[sflag:s17] =	ssyncadd.s32 $0xFFFFD800  }
0x56: {  	[spmem:s3] =	stream.indirect.scatter.add.f32 [tilespmem:s15], [sflag:$0x3], $0x80, s14, s18, $0xb8;
	[tilespmem:$0x16100] =	vst v63  }
0x57: {  	s24 =	simm.s32 $0xA;
	_ =	swait.ge [sflag:s19], $0x2800  }
0x58: {  	s25 =	simm.s32 $0x14;
	s23 =	sadd.s32 $0x500, s9;
	[sflag:s19] =	ssyncset.done $0x0  }
.LBB2_6:
0x59: {  	s26 =	sadd.s32 s24, s10  }
0x5a: {  	[sflag:s19] =	ssyncadd.s32 $0xFFFFD800;
	s24 =	smov.u32 s25;
	s28 =	sadd.s32 $0xA, s25  }
0x5b: {  	[tilespmem:s14], [sflag:$0x1] =	stream.linear.gather [hbm4b:s26+s4], $0x50, $0x38;
	[tilespmem:$0x16100] =	vst v63  }
0x5c: {  	p3 =	sne.s32 s25, $0x9BA  }
0x5d: {  	[tilespmem:s15], [sflag:$0x2] =	stream.linear.gather [hbm4b:s23+s4], $0x2800, $0x38;
	[tilespmem:$0x16100] =	vst v63  }
0x5e: {  	_ =	swait.ge [sflag:s16], $0x50  }
0x5f: {  	[sflag:s16] =	ssyncset.done $0x0  }
0x60: {  	[sflag:s16] =	ssyncadd.s32 $0xFFFFFFB0  }
0x61: {  	_ =	swait.ge [sflag:s17], $0x2800  }
.Ltmp6:
0x62: {  	[sflag:s17] =	ssyncset.done $0x0;
	(pc) =	sbr.rel @p3 .LBB2_6-.Ltmp6, $4  }
0x63: {  	[sflag:s17] =	ssyncadd.s32 $0xFFFFD800  }
0x64: {  	[spmem:s3] =	stream.indirect.scatter.add.f32 [tilespmem:s15], [sflag:$0x3], $0x80, s14, s18, $0xb8;
	[tilespmem:$0x16100] =	vst v63  }
0x65: {  	_ =	swait.ge [sflag:s19], $0x2800  }
0x66: {  	s25 =	smov.u32 s28;
	s23 =	sadd.s32 $0x500, s23;
	[sflag:s19] =	ssyncset.done $0x0  }
0x67: {  	s24 =	sadd.s32 s24, s10;
	[sflag:s19] =	ssyncadd.s32 $0xFFFFD800  }
0x68: {  	[tilespmem:s14], [sflag:$0x1] =	stream.linear.gather [hbm4b:s24+s4], $0x50, $0x38;
	[tilespmem:$0x16100] =	vst v63  }
0x69: {  	_ = 	snop  }
0x6a: {  	[tilespmem:s15], [sflag:$0x2] =	stream.linear.gather [hbm4b:s23+s4], $0x2800, $0x38;
	[tilespmem:$0x16100] =	vst v63  }
0x6b: {  	_ =	swait.ge [sflag:s16], $0x50  }
0x6c: {  	[sflag:s16] =	ssyncset.done $0x0  }
0x6d: {  	[sflag:s16] =	ssyncadd.s32 $0xFFFFFFB0  }
0x6e: {  	_ =	swait.ge [sflag:s17], $0x2800  }
0x6f: {  	[sflag:s17] =	ssyncset.done $0x0  }
0x70: {  	[sflag:s17] =	ssyncadd.s32 $0xFFFFD800  }
0x71: {  	[spmem:s3] =	stream.indirect.scatter.add.f32 [tilespmem:s15], [sflag:$0x3], $0x80, s14, s18, $0xb8;
	[tilespmem:$0x16100] =	vst v63  }
.Ltmp7:
0x72: {  	_ =	swait.ge [sflag:s19], $0x2800;
	(pc) =	sbr.rel @!p2 .LBB2_9-.Ltmp7, $4  }
.Ltmp8:
0x73: {  	[sflag:s19] =	ssyncset.done $0x0;
	(pc) =	sbr.rel @p2 .LBB2_8-.Ltmp8, $4  }
0x74: {  	[sflag:s19] =	ssyncadd.s32 $0xFFFFD800  }
0x75: {  	[bflag:$0x0] =	sbarrier.arrive $0xFFFF  }
0x76: {  	s23 =	smov.u32 s6  }
0x77: {  	_ = 	snop  }
.LBB2_10:
0x78: {  	_ =	sfence.sel $0x180000  }
0x79: {  	[bflag:$0x0] =	sbarrier.arrive $0xFFFF  }
0x7a: {  	p0 =	sne.s32 s1, $0x0;
	_ =	strace $0x90000050  }
0x7b: {  	s0 =	sadd.s32 @!p0 $0x100000, s0;
	[bflag:$0x2] =	sbarrier.arrive $0xFFFF  }
0x7c: {  	[sflag:s0] =	ssyncadd.tile.s32 @!p0 $0x1;
	_ =	shalt  }
.Lfunc_end2:
_tile_overlayer_lowered:
.L_overlay_start_2:
0x7d: {  	(tag) =	ssettag $0x2  }
0x7e: {  	s0 =	rddreg [dreg:$0x0];
	s2 =	stileid.u32  }
0x7f: {  	s1 =	rddreg [dreg:$0x1];
	p0 =	sne.s32 s2, $0x0  }
0x80: {  	s3 =	rddreg [dreg:$0x2];
	[bflag:$0x3] =	sbarrier.arrive $0xFFFF;
	s2 =	simm.s32 @!p0 $0x1C03  }
0x81: {  	[timem:s3], [sflag:s2] =	dma.local @!p0 [hbm:s0], s1  }
0x82: {  	s0 =	simm.s32 @!p0 $0x3  }
0x83: {  	_ =	swait.ge @!p0 [sflag:s0], s1  }
0x84: {  	s1 =	ssub.s32 @!p0 $0x0, s1;
	[sflag:s0] =	ssyncset.done @!p0 $0x0  }
0x85: {  	[sflag:s0] =	ssyncadd.s32 @!p0 s1  }
0x86: {  	[bflag:$0x3] =	sbarrier.arrive $0xFFFF  }
0x87: {  	_ =	shalt  }

</sc_bundles>
